<compile_context>
chip_gen: v7x
topology: tpu7x:2x2x1
jax: 0.10.2.dev20260603
libtpu: 0.0.44.dev20260713+nightly
codegen_flags: <defaults>
</compile_context>

<pallas_src>
import functools

import jax
import jax.numpy as jnp
from jax import lax
from jax.experimental import pallas as pl
from jax.experimental.pallas import tpu as pltpu
from jax.experimental.pallas import tpu_sc as plsc

B, L, T, M, EN, SD, H = 16, 512, 120, 40, 20, 20, 128
WORD, POSD, COREF, DIS, REL = 100, 20, 20, 20, 97
N = M + EN + SD
H2 = 2 * H
NTOK = B * L

F32 = jnp.float32

_NW = 32
_BPW = NTOK // _NW
_CH = 128
_NCH = _BPW // _CH

def _sc_gather_body(we_hbm, ci_hbm, ce_hbm, po_hbm, ne_hbm, cn_hbm,
                    o1, o2, o3, i1, i2, i3, r1, r2, r3, sem):
    wid = lax.axis_index("s") * 2 + lax.axis_index("c")
    row = wid * _NCH
    pltpu.sync_copy(ci_hbm.at[pl.ds(row, _NCH)], i1)
    pltpu.sync_copy(po_hbm.at[pl.ds(row, _NCH)], i2)
    pltpu.sync_copy(cn_hbm.at[pl.ds(row, _NCH)], i3)
    copies = []
    for j in range(_NCH):
        copies.append(pltpu.async_copy(we_hbm.at[i1.at[j]], r1.at[j], sem))
        copies.append(pltpu.async_copy(ce_hbm.at[i2.at[j]], r2.at[j], sem))
        copies.append(pltpu.async_copy(ne_hbm.at[i3.at[j]], r3.at[j], sem))
    for cp in copies:
        cp.wait()
    pltpu.sync_copy(r1, o1.at[pl.ds(row, _NCH)])
    pltpu.sync_copy(r2, o2.at[pl.ds(row, _NCH)])
    pltpu.sync_copy(r3, o3.at[pl.ds(row, _NCH)])


@functools.cache
def _sc_gather_kernel():
    mesh = plsc.VectorSubcoreMesh(core_axis_name="c", subcore_axis_name="s")
    return pl.kernel(
        _sc_gather_body,
        mesh=mesh,
        out_type=[
            jax.ShapeDtypeStruct((NTOK // _CH, _CH, 128), F32),
            jax.ShapeDtypeStruct((NTOK // _CH, _CH, 128), F32),
            jax.ShapeDtypeStruct((NTOK // _CH, _CH, 128), F32),
        ],
        scratch_types=[
            pltpu.VMEM((_NCH, _CH), jnp.int32),
            pltpu.VMEM((_NCH, _CH), jnp.int32),
            pltpu.VMEM((_NCH, _CH), jnp.int32),
            pltpu.VMEM((_NCH, _CH, 128), F32),
            pltpu.VMEM((_NCH, _CH, 128), F32),
            pltpu.VMEM((_NCH, _CH, 128), F32),
            pltpu.SemaphoreType.DMA,
        ],
    )


def _pad_body(wt, out):
    i0 = lax.broadcasted_iota(jnp.int32, (WORD, 128), 0)
    i1 = lax.broadcasted_iota(jnp.int32, (WORD, 128), 1)
    ipad = jnp.where(i0 == i1, 1.0, 0.0).astype(F32)
    out[...] = lax.dot_general(wt[...], ipad, (((0,), (0,)), ((), ())),
                               preferred_element_type=F32)


def _pad_table(we):
    V = we.shape[0]
    wt = jnp.transpose(we)
    CK = 4096
    return pl.pallas_call(
        _pad_body,
        grid=(pl.cdiv(V, CK),),
        in_specs=[pl.BlockSpec((WORD, CK), lambda i: (0, i))],
        out_specs=pl.BlockSpec((CK, 128), lambda i: (i, 0)),
        out_shape=jax.ShapeDtypeStruct((V, 128), F32),
    )(wt)


def _sc_gather(we, ci, ce, po, ne, cn):
    we = _pad_table(we)
    ce = jnp.pad(ce, ((0, 0), (0, 128 - COREF)))
    ne = jnp.pad(ne, ((0, 0), (0, 128 - POSD)))
    NR = NTOK // _CH
    E1, E2, E3 = _sc_gather_kernel()(
        we, ci.reshape(NR, _CH), ce, po.reshape(NR, _CH),
        ne, cn.reshape(NR, _CH))
    return (E1.reshape(NTOK, 128), E2.reshape(NTOK, 128),
            E3.reshape(NTOK, 128))


def _proj_body(e1, e2, e3, w1, w2, w3, b, out):
    acc = jnp.dot(e1[...], w1[...], preferred_element_type=F32)
    acc += jnp.dot(e2[...], w2[...], preferred_element_type=F32)
    acc += jnp.dot(e3[...], w3[...], preferred_element_type=F32)
    out[...] = acc + b[...]


def _project(E1, E2, E3, Wwe, Wce, Wne, bcat):
    RB = 1024
    grid = NTOK // RB
    return pl.pallas_call(
        _proj_body,
        grid=(grid,),
        in_specs=[
            pl.BlockSpec((RB, 128), lambda i: (i, 0)),
            pl.BlockSpec((RB, 128), lambda i: (i, 0)),
            pl.BlockSpec((RB, 128), lambda i: (i, 0)),
            pl.BlockSpec((128, H2), lambda i: (0, 0)),
            pl.BlockSpec((128, H2), lambda i: (0, 0)),
            pl.BlockSpec((128, H2), lambda i: (0, 0)),
            pl.BlockSpec((1, H2), lambda i: (0, 0)),
        ],
        out_specs=pl.BlockSpec((RB, H2), lambda i: (i, 0)),
        out_shape=jax.ShapeDtypeStruct((NTOK, H2), F32),
    )(E1, E2, E3, Wwe, Wce, Wne, bcat)


def _rnn_body(x, whbd, hsf, hsb):
    wh = whbd[...]

    def step(i, h):
        xf = x[i][:, :H]
        xb = x[L - 1 - i][:, H:]
        xin = jnp.concatenate([xf, xb], axis=1)
        h = jnp.tanh(xin + jnp.dot(h, wh, preferred_element_type=F32))
        hsf[i] = h[:, :H]
        hsb[L - 1 - i] = h[:, H:]
        return h

    lax.fori_loop(0, L, step, jnp.zeros((B, H2), F32), unroll=8)


def _birnn(X, WhBD):
    return pl.pallas_call(
        _rnn_body,
        grid=(1,),
        in_specs=[
            pl.BlockSpec((L, B, H2), lambda i: (0, 0, 0)),
            pl.BlockSpec((H2, H2), lambda i: (0, 0)),
        ],
        out_specs=[
            pl.BlockSpec((L, B, H), lambda i: (0, 0, 0)),
            pl.BlockSpec((L, B, H), lambda i: (0, 0, 0)),
        ],
        out_shape=[
            jax.ShapeDtypeStruct((L, B, H), F32),
            jax.ShapeDtypeStruct((L, B, H), F32),
        ],
    )(X, WhBD)


def _graph_body(hsf, hsb, pmat, hm, tm, dht, dth,
                wre_f, wre_b, b_re, wq0, wk0, wg0a, bg0a, wg0b, bg0b,
                wq1, wk1, wg1a, bg1a, wg1b, bg1b, de, s_out, t_out):
    b = pl.program_id(0)
    ctx = jnp.dot(hsf[:, b, :], wre_f[...], preferred_element_type=F32)
    ctx += jnp.dot(hsb[:, b, :], wre_b[...], preferred_element_type=F32)
    ctx = jax.nn.relu(ctx + b_re[...])

    node = jnp.dot(pmat[0], ctx, preferred_element_type=F32)

    for (wq, wk, wga, bga, wgb, bgb) in (
        (wq0, wk0, wg0a, bg0a, wg0b, bg0b),
        (wq1, wk1, wg1a, bg1a, wg1b, bg1b),
    ):
        q = jnp.dot(node, wq[...], preferred_element_type=F32)
        k = jnp.dot(node, wk[...], preferred_element_type=F32)
        a = lax.dot_general(q, k, (((1,), (1,)), ((), ())),
                            preferred_element_type=F32) * 0.125
        a = a - jnp.max(a, axis=1, keepdims=True)
        e = jnp.exp(a)
        adj = e / jnp.sum(e, axis=1, keepdims=True)
        node = jax.nn.relu(
            jnp.dot(adj, jnp.dot(node, wga[...], preferred_element_type=F32),
                    preferred_element_type=F32) + bga[...])
        node = jax.nn.relu(
            jnp.dot(adj, jnp.dot(node, wgb[...], preferred_element_type=F32),
                    preferred_element_type=F32) + bgb[...])

    ctx = ctx + lax.dot_general(pmat[0, :M, :], node[:M, :],
                                (((0,), (0,)), ((), ())),
                                preferred_element_type=F32)

    start = jnp.dot(hm[0], ctx, preferred_element_type=F32)
    end = jnp.dot(tm[0], ctx, preferred_element_type=F32)

    ioa = lax.broadcasted_iota(jnp.int32, (T, DIS), 1)
    oh_h = jnp.where(ioa == dht[0, 0, :][:, None], 1.0, 0.0).astype(F32)
    oh_t = jnp.where(ioa == dth[0, 0, :][:, None], 1.0, 0.0).astype(F32)
    de_h = jnp.dot(oh_h, de[...], preferred_element_type=F32)
    de_t = jnp.dot(oh_t, de[...], preferred_element_type=F32)

    s_out[0, :, :H] = start
    s_out[0, :, H:] = de_h
    t_out[0, :, :H] = end
    t_out[0, :, H:] = de_t


def _graph(HSf, HSb, P, hm, tm, dht, dth, wre_f, wre_b, b_re,
           Wq0, Wk0, Wg0a, bg0a, Wg0b, bg0b, Wq1, Wk1, Wg1a, bg1a,
           Wg1b, bg1b, de):
    full = lambda shape: pl.BlockSpec(shape, lambda b: tuple(0 for _ in shape))
    return pl.pallas_call(
        _graph_body,
        grid=(B,),
        in_specs=[
            pl.BlockSpec((L, B, H), lambda b: (0, 0, 0)),
            pl.BlockSpec((L, B, H), lambda b: (0, 0, 0)),
            pl.BlockSpec((1, N, L), lambda b: (b, 0, 0)),
            pl.BlockSpec((1, T, L), lambda b: (b, 0, 0)),
            pl.BlockSpec((1, T, L), lambda b: (b, 0, 0)),
            pl.BlockSpec((1, 1, T), lambda b: (b, 0, 0)),
            pl.BlockSpec((1, 1, T), lambda b: (b, 0, 0)),
            full((H, H)), full((H, H)), full((1, H)),
            full((H, 64)), full((H, 64)), full((H, H)), full((1, H)),
            full((H, H)), full((1, H)),
            full((H, 64)), full((H, 64)), full((H, H)), full((1, H)),
            full((H, H)), full((1, H)),
            full((DIS, DIS)),
        ],
        out_specs=[
            pl.BlockSpec((1, T, H + DIS), lambda b: (b, 0, 0)),
            pl.BlockSpec((1, T, H + DIS), lambda b: (b, 0, 0)),
        ],
        out_shape=[
            jax.ShapeDtypeStruct((B, T, H + DIS), F32),
            jax.ShapeDtypeStruct((B, T, H + DIS), F32),
        ],
    )(HSf, HSb, P, hm, tm, dht, dth, wre_f, wre_b, b_re,
      Wq0, Wk0, Wg0a, bg0a, Wg0b, bg0b, Wq1, Wk1, Wg1a, bg1a, Wg1b, bg1b, de)


_DB = 4


def _bil_body(st, tt, w2, out):
    j = pl.program_id(0)
    h = lax.dot_general(w2[...].astype(jnp.bfloat16), st[...],
                        (((0,), (0,)), ((), ())),
                        preferred_element_type=F32)
    acc = h[:H, :] * tt[0, 0, :][None, :]
    for i in range(1, _DB):
        acc += h[i * H:(i + 1) * H, :] * tt[0, i, :][None, :]

    @pl.when(j == 0)
    def _():
        out[...] = acc

    @pl.when(j != 0)
    def _():
        out[...] += acc


def _bilinear(ST16, TT3, W2):
    C = H + DIS
    return pl.pallas_call(
        _bil_body,
        grid=(C // _DB,),
        in_specs=[
            pl.BlockSpec((C, B * T), lambda j: (0, 0)),
            pl.BlockSpec((1, _DB, B * T), lambda j: (j, 0, 0)),
            pl.BlockSpec((C, _DB * H), lambda j: (0, j)),
        ],
        out_specs=pl.BlockSpec((H, B * T), lambda j: (0, 0)),
        out_shape=jax.ShapeDtypeStruct((H, B * T), F32),
    )(ST16, TT3, W2)


def _att_body(bilT, rm, bili_b, wa, wo1, wo2, b_out, out):
    re_t = jax.nn.relu(bilT[0] + bili_b[...])
    rea = lax.dot_general(re_t, wa[...], (((0,), (0,)), ((), ())),
                          preferred_element_type=F32)
    att = lax.dot_general(rea, re_t, (((1,), (0,)), ((), ())),
                          preferred_element_type=F32)
    att = att - (1.0 - rm[0, 0, :])[None, :] * 1e9
    att = att - jnp.max(att, axis=1, keepdims=True)
    e = jnp.exp(att)
    p = e / jnp.sum(e, axis=1, keepdims=True)
    ctx2 = lax.dot_general(p, re_t, (((1,), (1,)), ((), ())),
                           preferred_element_type=F32)
    logits = lax.dot_general(re_t, wo1[...], (((0,), (0,)), ((), ())),
                             preferred_element_type=F32)
    logits += jnp.dot(ctx2, wo2[...], preferred_element_type=F32)
    out[0] = logits + b_out[...]


def _attention(bilT, rm, bili_b_col, Wa, Wo1, Wo2, b_out):
    full = lambda shape: pl.BlockSpec(shape, lambda b: tuple(0 for _ in shape))
    return pl.pallas_call(
        _att_body,
        grid=(B,),
        in_specs=[
            pl.BlockSpec((1, H, T), lambda b: (b, 0, 0)),
            pl.BlockSpec((1, 1, T), lambda b: (b, 0, 0)),
            full((H, 1)),
            full((H, H)),
            full((H, REL)),
            full((H, REL)),
            full((1, REL)),
        ],
        out_specs=pl.BlockSpec((1, T, REL), lambda b: (b, 0, 0)),
        out_shape=jax.ShapeDtypeStruct((B, T, REL), F32),
    )(bilT, rm, bili_b_col, Wa, Wo1, Wo2, b_out)


def kernel(context_idxs, pos, context_ner, h_mapping, t_mapping,
           relation_mask, dis_h_2_t, dis_t_2_h, context_seg,
           mention_node_position, entity_position, mention_node_sent_num,
           all_node_num, entity_num_list, sdp_pos, sdp_num_list,
           word_emb, coref_emb, ner_emb, Wx_f, Wh_f, b_f, Wx_b, Wh_b, b_b,
           W_re, b_re, Wq0, Wk0, Wg0a, bg0a, Wg0b, bg0b, Wq1, Wk1,
           Wg1a, bg1a, Wg1b, bg1b, dis_emb, bili_W, bili_b, Wa,
           W_out, b_out):
    ci = jnp.transpose(context_idxs).reshape(-1).astype(jnp.int32)
    po = jnp.transpose(pos).reshape(-1).astype(jnp.int32)
    cn = jnp.transpose(context_ner).reshape(-1).astype(jnp.int32)

    E1, E2, E3 = _sc_gather(word_emb, ci, coref_emb, po, ner_emb, cn)

    pad_w = lambda w: jnp.pad(w, ((0, 128 - w.shape[0]), (0, 0)))
    Wwe = pad_w(jnp.concatenate([Wx_f[:WORD], Wx_b[:WORD]], axis=1))
    Wce = pad_w(jnp.concatenate(
        [Wx_f[WORD:WORD + COREF], Wx_b[WORD:WORD + COREF]], axis=1))
    Wne = pad_w(jnp.concatenate(
        [Wx_f[WORD + COREF:], Wx_b[WORD + COREF:]], axis=1))
    bcat = jnp.concatenate([b_f, b_b]).reshape(1, H2)

    X = _project(E1, E2, E3, Wwe, Wce, Wne, bcat).reshape(L, B, H2)

    z = jnp.zeros((H, H), F32)
    WhBD = jnp.concatenate(
        [jnp.concatenate([Wh_f, z], axis=1),
         jnp.concatenate([z, Wh_b], axis=1)], axis=0)

    HSf, HSb = _birnn(X, WhBD)

    P = jnp.concatenate([mention_node_position, entity_position, sdp_pos],
                        axis=1)
    dht = dis_h_2_t.astype(jnp.int32).reshape(B, 1, T)
    dth = dis_t_2_h.astype(jnp.int32).reshape(B, 1, T)

    Srep, Trep = _graph(
        HSf, HSb, P, h_mapping, t_mapping, dht, dth,
        W_re[:H], W_re[H:], b_re.reshape(1, H),
        Wq0, Wk0, Wg0a, bg0a.reshape(1, H), Wg0b, bg0b.reshape(1, H),
        Wq1, Wk1, Wg1a, bg1a.reshape(1, H), Wg1b, bg1b.reshape(1, H),
        dis_emb)

    C = H + DIS
    bilT = _bilinear(Srep.reshape(B * T, C).T.astype(jnp.bfloat16),
                     Trep.reshape(B * T, C).T.reshape(C // _DB, _DB, B * T),
                     jnp.transpose(bili_W, (1, 2, 0)).reshape(C, C * H))
    bilT = jnp.transpose(bilT.reshape(H, B, T), (1, 0, 2))

    out = _attention(
        bilT, relation_mask.reshape(B, 1, T).astype(F32),
        bili_b.reshape(H, 1), Wa, W_out[:H], W_out[H:],
        b_out.reshape(1, REL))
    return out

# --- scband reference (transcript-rebuilt; emitter-appended) ---
"""Pipeline reference for scband-lsr-37271726194783 (READ-ONLY COPY).

The authoritative reference and input builder live on the scoring server;
editing this copy changes nothing except your own understanding.
"""

import jax, jax.numpy as jnp
import numpy as np

B, L, T, M, EN, SD, H = 16, 512, 120, 40, 20, 20, 128
VOCAB, WORD, POSD, COREF, DIS, NERN, REL = 100000, 100, 20, 20, 20, 13, 97
N = M + EN + SD
IN = WORD + COREF + POSD


def setup_inputs():
    ks = jax.random.split(jax.random.key(0), 48)
    inp = {}
    inp["context_idxs"] = jax.random.randint(ks[0], (B, L), 0, VOCAB)
    inp["pos"] = jax.random.randint(ks[1], (B, L), 0, L)
    inp["context_ner"] = jax.random.randint(ks[2], (B, L), 0, NERN)
    inp["h_mapping"] = jax.random.uniform(ks[3], (B, T, L), jnp.float32) / L
    inp["t_mapping"] = jax.random.uniform(ks[4], (B, T, L), jnp.float32) / L
    inp["relation_mask"] = jnp.ones((B, T), jnp.float32)
    inp["dis_h_2_t"] = jax.random.randint(ks[5], (B, T), 0, 20)
    inp["dis_t_2_h"] = jax.random.randint(ks[6], (B, T), 0, 20)
    inp["context_seg"] = jax.random.randint(ks[7], (B, L), 0, 2)
    inp["mention_node_position"] = jax.random.uniform(ks[8], (B, M, L), jnp.float32) / L
    inp["entity_position"] = jax.random.uniform(ks[9], (B, EN, L), jnp.float32) / L
    inp["mention_node_sent_num"] = jnp.ones((B, 15), jnp.float32)
    inp["all_node_num"] = N
    inp["entity_num_list"] = jnp.full((B,), EN, jnp.int32)
    inp["sdp_pos"] = jax.random.uniform(ks[10], (B, SD, L), jnp.float32) / L
    inp["sdp_num_list"] = jnp.full((B,), SD, jnp.int32)
    nrm = lambda i, s, sc: jax.random.normal(ks[i], s, jnp.float32) * sc
    inp["word_emb"] = nrm(11, (VOCAB, WORD), 0.1)
    inp["coref_emb"] = nrm(12, (L, COREF), 0.1)
    inp["ner_emb"] = nrm(13, (NERN, POSD), 0.1)
    inp["Wx_f"] = nrm(14, (IN, H), IN ** -0.5)
    inp["Wh_f"] = nrm(15, (H, H), H ** -0.5)
    inp["b_f"] = jnp.zeros((H,), jnp.float32)
    inp["Wx_b"] = nrm(16, (IN, H), IN ** -0.5)
    inp["Wh_b"] = nrm(17, (H, H), H ** -0.5)
    inp["b_b"] = jnp.zeros((H,), jnp.float32)
    inp["W_re"] = nrm(18, (2 * H, H), (2 * H) ** -0.5)
    inp["b_re"] = jnp.zeros((H,), jnp.float32)
    inp["Wq0"] = nrm(19, (H, 64), H ** -0.5)
    inp["Wk0"] = nrm(20, (H, 64), H ** -0.5)
    inp["Wg0a"] = nrm(21, (H, H), H ** -0.5)
    inp["bg0a"] = jnp.zeros((H,), jnp.float32)
    inp["Wg0b"] = nrm(22, (H, H), H ** -0.5)
    inp["bg0b"] = jnp.zeros((H,), jnp.float32)
    inp["Wq1"] = nrm(23, (H, 64), H ** -0.5)
    inp["Wk1"] = nrm(24, (H, 64), H ** -0.5)
    inp["Wg1a"] = nrm(25, (H, H), H ** -0.5)
    inp["bg1a"] = jnp.zeros((H,), jnp.float32)
    inp["Wg1b"] = nrm(26, (H, H), H ** -0.5)
    inp["bg1b"] = jnp.zeros((H,), jnp.float32)
    inp["dis_emb"] = nrm(27, (20, DIS), 0.1)
    inp["bili_W"] = nrm(28, (H, H + DIS, H + DIS), 0.02)
    inp["bili_b"] = jnp.zeros((H,), jnp.float32)
    inp["Wa"] = nrm(29, (H, H), H ** -0.5)
    inp["W_out"] = nrm(30, (2 * H, REL), (2 * H) ** -0.5)
    inp["b_out"] = jnp.zeros((REL,), jnp.float32)
    return inp


def _rnn(x, Wx, Wh, b):
    def step(h, xt):
        h2 = jnp.tanh(xt @ Wx + h @ Wh + b)
        return h2, h2
    h0 = jnp.zeros((x.shape[0], Wh.shape[0]), x.dtype)
    _, hs = jax.lax.scan(step, h0, jnp.transpose(x, (1, 0, 2)))
    return jnp.transpose(hs, (1, 0, 2))


def _forward(ci, po, cn, dht, dth, h_m, t_m, rm, mnp, ep, sdp, we, ce, ne, Wx_f, Wh_f, b_f, Wx_b, Wh_b, b_b, W_re, b_re, Wq0, Wk0, Wg0a, bg0a, Wg0b, bg0b, Wq1, Wk1, Wg1a, bg1a, Wg1b, bg1b, de, bili_W, bili_b, Wa, W_out, b_out):
    sent_emb = jnp.concatenate([we[ci], ce[po], ne[cn]], -1)
    f = _rnn(sent_emb, Wx_f, Wh_f, b_f)
    bwd = _rnn(sent_emb[:, ::-1], Wx_b, Wh_b, b_b)[:, ::-1]
    docs_rep = jnp.concatenate([f, bwd], -1)
    ctx = jax.nn.relu(docs_rep @ W_re + b_re)
    m_rep = mnp @ ctx
    e_rep = ep @ ctx
    s_rep_n = sdp @ ctx
    out = jnp.concatenate([m_rep, e_rep, s_rep_n], 1)
    for (Wq, Wk, Wga, bga, Wgb, bgb) in ((Wq0, Wk0, Wg0a, bg0a, Wg0b, bg0b), (Wq1, Wk1, Wg1a, bg1a, Wg1b, bg1b)):
        q = out @ Wq
        k = out @ Wk
        adj = jax.nn.softmax(q @ jnp.transpose(k, (0, 2, 1)) / jnp.sqrt(64.0), -1)
        out = jax.nn.relu(adj @ (out @ Wga) + bga)
        out = jax.nn.relu(adj @ (out @ Wgb) + bgb)
    ctx = ctx + jnp.transpose(mnp, (0, 2, 1)) @ out[:, :M]
    start = h_m @ ctx
    end = t_m @ ctx
    s_rep = jnp.concatenate([start, de[dht]], -1)
    t_rep = jnp.concatenate([end, de[dth]], -1)
    bil = jnp.einsum('btc,kcd,btd->btk', s_rep, bili_W, t_rep) + bili_b
    re_rep = jax.nn.relu(bil)
    att = (re_rep @ Wa) @ jnp.transpose(re_rep, (0, 2, 1))
    att = att - (1.0 - rm[:, None, :]) * 1e9
    ctx2 = jax.nn.softmax(att, -1) @ re_rep
    feat = jnp.concatenate([re_rep, ctx2], -1)
    return feat @ W_out + b_out


def reference(context_idxs, pos, context_ner, h_mapping, t_mapping, relation_mask, dis_h_2_t, dis_t_2_h, context_seg, mention_node_position, entity_position, mention_node_sent_num, all_node_num, entity_num_list, sdp_pos, sdp_num_list, word_emb, coref_emb, ner_emb, Wx_f, Wh_f, b_f, Wx_b, Wh_b, b_b, W_re, b_re, Wq0, Wk0, Wg0a, bg0a, Wg0b, bg0b, Wq1, Wk1, Wg1a, bg1a, Wg1b, bg1b, dis_emb, bili_W, bili_b, Wa, W_out, b_out):
    return _forward(context_idxs, pos, context_ner, dis_h_2_t, dis_t_2_h, h_mapping, t_mapping, relation_mask, mention_node_position, entity_position, sdp_pos, word_emb, coref_emb, ner_emb, Wx_f, Wh_f, b_f, Wx_b, Wh_b, b_b, W_re, b_re, Wq0, Wk0, Wg0a, bg0a, Wg0b, bg0b, Wq1, Wk1, Wg1a, bg1a, Wg1b, bg1b, dis_emb, bili_W, bili_b, Wa, W_out, b_out)

if __name__ == "__main__":
    import jax
    _d = setup_inputs()
    print(jax.jit(kernel)(*tuple(_d.values())))

</pallas_src>

<mosaic_0001>
#map = affine_map<(d0, d1) -> (0, 0)>
#map1 = affine_map<(d0, d1) -> (0, 0, 0)>
module attributes {stable_mosaic.version = 14 : i64} {
  func.func @_sc_gather_body(%arg0: i32, %arg1: i32, %arg2: memref<100000x128xf32, #tpu.memory_space<hbm>>, %arg3: memref<64x128xi32, #tpu.memory_space<hbm>>, %arg4: memref<512x128xf32, #tpu.memory_space<hbm>>, %arg5: memref<64x128xi32, #tpu.memory_space<hbm>>, %arg6: memref<13x128xf32, #tpu.memory_space<hbm>>, %arg7: memref<64x128xi32, #tpu.memory_space<hbm>>, %arg8: memref<64x128x128xf32, #tpu.memory_space<hbm>>, %arg9: memref<64x128x128xf32, #tpu.memory_space<hbm>>, %arg10: memref<64x128x128xf32, #tpu.memory_space<hbm>>, %arg11: memref<2x128xi32, #tpu.memory_space<vmem>>, %arg12: memref<2x128xi32, #tpu.memory_space<vmem>>, %arg13: memref<2x128xi32, #tpu.memory_space<vmem>>, %arg14: memref<2x128x128xf32, #tpu.memory_space<vmem>>, %arg15: memref<2x128x128xf32, #tpu.memory_space<vmem>>, %arg16: memref<2x128x128xf32, #tpu.memory_space<vmem>>, %arg17: memref<!tpu.dma_semaphore, #tpu.memory_space<semaphore_mem>>) attributes {dimension_semantics = [#tpu.dimension_semantics<core_parallel>, #tpu.dimension_semantics<subcore_parallel>], iteration_bounds = array<i64: 2, 16>, scalar_prefetch = 0 : i64, scratch_operands = 7 : i64, tpu.core_type = #tpu.core_type<sc_vector_subcore>, window_params = [{transform_indices = #map}, {transform_indices = #map}, {transform_indices = #map}, {transform_indices = #map}, {transform_indices = #map}, {transform_indices = #map}, {transform_indices = #map1}, {transform_indices = #map1}, {transform_indices = #map1}]} {
    %mul3A = arith.constant 2 : i32
    %mul3A_0 = arith.muli %arg1, %mul3A : i32
    %add3A = arith.addi %mul3A_0, %arg0 : i32
    %mul3A_1 = arith.constant 2 : i32
    %mul3A_2 = arith.muli %add3A, %mul3A_1 : i32
    "tpu.region"() ({
      %run_scoped3A = tpu.sem_alloc : memref<!tpu.dma_semaphore, #tpu.memory_space<semaphore_mem>>
      %dma_start3A_145 = arith.constant 0 : i32
      %dma_start3A_146 = tpu.memref_slice %arg3[%mul3A_2, %dma_start3A_145] : memref<64x128xi32, #tpu.memory_space<hbm>> -> memref<2x128xi32, #tpu.memory_space<hbm>>
      %dma_start3A_147 = arith.constant 0 : i32
      %dma_start3A_148 = tpu.memref_slice %arg3[%mul3A_2, %dma_start3A_147] : memref<64x128xi32, #tpu.memory_space<hbm>> -> memref<2x128xi32, #tpu.memory_space<hbm>>
      tpu.enqueue_dma source(%dma_start3A_148 : memref<2x128xi32, #tpu.memory_space<hbm>>) target(%arg11 : memref<2x128xi32, #tpu.memory_space<vmem>>) target_semaphore(%run_scoped3A : memref<!tpu.dma_semaphore, #tpu.memory_space<semaphore_mem>>)
      %dma_wait3A_149 = arith.constant 0 : i32
      %dma_wait3A_150 = tpu.memref_slice %arg3[%mul3A_2, %dma_wait3A_149] : memref<64x128xi32, #tpu.memory_space<hbm>> -> memref<2x128xi32, #tpu.memory_space<hbm>>
      %dma_wait3A_151 = arith.constant 0 : i32
      %dma_wait3A_152 = tpu.memref_slice %arg3[%mul3A_2, %dma_wait3A_151] : memref<64x128xi32, #tpu.memory_space<hbm>> -> memref<2x128xi32, #tpu.memory_space<hbm>>
      tpu.wait_dma2 semaphore(%run_scoped3A : memref<!tpu.dma_semaphore, #tpu.memory_space<semaphore_mem>>) src(%dma_wait3A_152 : memref<2x128xi32, #tpu.memory_space<hbm>>) dst(%arg11 : memref<2x128xi32, #tpu.memory_space<vmem>>)
      tpu.yield
    }) : () -> ()
    "tpu.region"() ({
      %run_scoped3A = tpu.sem_alloc : memref<!tpu.dma_semaphore, #tpu.memory_space<semaphore_mem>>
      %dma_start3A_145 = arith.constant 0 : i32
      %dma_start3A_146 = tpu.memref_slice %arg5[%mul3A_2, %dma_start3A_145] : memref<64x128xi32, #tpu.memory_space<hbm>> -> memref<2x128xi32, #tpu.memory_space<hbm>>
      %dma_start3A_147 = arith.constant 0 : i32
      %dma_start3A_148 = tpu.memref_slice %arg5[%mul3A_2, %dma_start3A_147] : memref<64x128xi32, #tpu.memory_space<hbm>> -> memref<2x128xi32, #tpu.memory_space<hbm>>
      tpu.enqueue_dma source(%dma_start3A_148 : memref<2x128xi32, #tpu.memory_space<hbm>>) target(%arg12 : memref<2x128xi32, #tpu.memory_space<vmem>>) target_semaphore(%run_scoped3A : memref<!tpu.dma_semaphore, #tpu.memory_space<semaphore_mem>>)
      %dma_wait3A_149 = arith.constant 0 : i32
      %dma_wait3A_150 = tpu.memref_slice %arg5[%mul3A_2, %dma_wait3A_149] : memref<64x128xi32, #tpu.memory_space<hbm>> -> memref<2x128xi32, #tpu.memory_space<hbm>>
      %dma_wait3A_151 = arith.constant 0 : i32
      %dma_wait3A_152 = tpu.memref_slice %arg5[%mul3A_2, %dma_wait3A_151] : memref<64x128xi32, #tpu.memory_space<hbm>> -> memref<2x128xi32, #tpu.memory_space<hbm>>
      tpu.wait_dma2 semaphore(%run_scoped3A : memref<!tpu.dma_semaphore, #tpu.memory_space<semaphore_mem>>) src(%dma_wait3A_152 : memref<2x128xi32, #tpu.memory_space<hbm>>) dst(%arg12 : memref<2x128xi32, #tpu.memory_space<vmem>>)
      tpu.yield
    }) : () -> ()
    "tpu.region"() ({
      %run_scoped3A = tpu.sem_alloc : memref<!tpu.dma_semaphore, #tpu.memory_space<semaphore_mem>>
      %dma_start3A_145 = arith.constant 0 : i32
      %dma_start3A_146 = tpu.memref_slice %arg7[%mul3A_2, %dma_start3A_145] : memref<64x128xi32, #tpu.memory_space<hbm>> -> memref<2x128xi32, #tpu.memory_space<hbm>>
      %dma_start3A_147 = arith.constant 0 : i32
      %dma_start3A_148 = tpu.memref_slice %arg7[%mul3A_2, %dma_start3A_147] : memref<64x128xi32, #tpu.memory_space<hbm>> -> memref<2x128xi32, #tpu.memory_space<hbm>>
      tpu.enqueue_dma source(%dma_start3A_148 : memref<2x128xi32, #tpu.memory_space<hbm>>) target(%arg13 : memref<2x128xi32, #tpu.memory_space<vmem>>) target_semaphore(%run_scoped3A : memref<!tpu.dma_semaphore, #tpu.memory_space<semaphore_mem>>)
      %dma_wait3A_149 = arith.constant 0 : i32
      %dma_wait3A_150 = tpu.memref_slice %arg7[%mul3A_2, %dma_wait3A_149] : memref<64x128xi32, #tpu.memory_space<hbm>> -> memref<2x128xi32, #tpu.memory_space<hbm>>
      %dma_wait3A_151 = arith.constant 0 : i32
      %dma_wait3A_152 = tpu.memref_slice %arg7[%mul3A_2, %dma_wait3A_151] : memref<64x128xi32, #tpu.memory_space<hbm>> -> memref<2x128xi32, #tpu.memory_space<hbm>>
      tpu.wait_dma2 semaphore(%run_scoped3A : memref<!tpu.dma_semaphore, #tpu.memory_space<semaphore_mem>>) src(%dma_wait3A_152 : memref<2x128xi32, #tpu.memory_space<hbm>>) dst(%arg13 : memref<2x128xi32, #tpu.memory_space<vmem>>)
      tpu.yield
    }) : () -> ()
    %dma_start3A = arith.constant 0 : i32
    %dma_start3A_3 = arith.constant 0 : i32
    %dma_start3A_4 = arith.constant 0 : i32
    %dma_start3A_5 = arith.constant 0 : i32
    %dma_start3A_6 = tpu.memref_slice %arg14[%dma_start3A_3, %dma_start3A_4, %dma_start3A_5] : memref<2x128x128xf32, #tpu.memory_space<vmem>> -> memref<1x128x128xf32, #tpu.memory_space<vmem>>
    %dma_start3A_7 = tpu.memref_squeeze %dma_start3A_6 : memref<1x128x128xf32, #tpu.memory_space<vmem>> -> memref<128x128xf32, #tpu.memory_space<vmem>>
    %dma_start3A_8 = arith.constant 0 : i32
    %dma_start3A_9 = tpu.memref_slice %arg11[%dma_start3A, %dma_start3A_8] : memref<2x128xi32, #tpu.memory_space<vmem>> -> memref<1x128xi32, #tpu.memory_space<vmem>>
    %dma_start3A_10 = tpu.memref_squeeze %dma_start3A_9 : memref<1x128xi32, #tpu.memory_space<vmem>> -> memref<128xi32, #tpu.memory_space<vmem>>
    %dma_start3A_11 = arith.constant 0 : i32
    %dma_start3A_12 = arith.constant 0 : i32
    %dma_start3A_13 = tpu.memref_slice %arg2[%dma_start3A_11, %dma_start3A_12] : memref<100000x128xf32, #tpu.memory_space<hbm>> -> memref<100000x128xf32, #tpu.memory_space<hbm>>
    tpu.enqueue_indirect_dma source(%dma_start3A_13 : memref<100000x128xf32, #tpu.memory_space<hbm>>) target(%dma_start3A_7 : memref<128x128xf32, #tpu.memory_space<vmem>>) offsets(%dma_start3A_10 : memref<128xi32, #tpu.memory_space<vmem>>) semaphore(%arg17 : memref<!tpu.dma_semaphore, #tpu.memory_space<semaphore_mem>>)
    %dma_start3A_14 = arith.constant 0 : i32
    %dma_start3A_15 = arith.constant 0 : i32
    %dma_start3A_16 = arith.constant 0 : i32
    %dma_start3A_17 = arith.constant 0 : i32
    %dma_start3A_18 = tpu.memref_slice %arg15[%dma_start3A_15, %dma_start3A_16, %dma_start3A_17] : memref<2x128x128xf32, #tpu.memory_space<vmem>> -> memref<1x128x128xf32, #tpu.memory_space<vmem>>
    %dma_start3A_19 = tpu.memref_squeeze %dma_start3A_18 : memref<1x128x128xf32, #tpu.memory_space<vmem>> -> memref<128x128xf32, #tpu.memory_space<vmem>>
    %dma_start3A_20 = arith.constant 0 : i32
    %dma_start3A_21 = tpu.memref_slice %arg12[%dma_start3A_14, %dma_start3A_20] : memref<2x128xi32, #tpu.memory_space<vmem>> -> memref<1x128xi32, #tpu.memory_space<vmem>>
    %dma_start3A_22 = tpu.memref_squeeze %dma_start3A_21 : memref<1x128xi32, #tpu.memory_space<vmem>> -> memref<128xi32, #tpu.memory_space<vmem>>
    %dma_start3A_23 = arith.constant 0 : i32
    %dma_start3A_24 = arith.constant 0 : i32
    %dma_start3A_25 = tpu.memref_slice %arg4[%dma_start3A_23, %dma_start3A_24] : memref<512x128xf32, #tpu.memory_space<hbm>> -> memref<512x128xf32, #tpu.memory_space<hbm>>
    tpu.enqueue_indirect_dma source(%dma_start3A_25 : memref<512x128xf32, #tpu.memory_space<hbm>>) target(%dma_start3A_19 : memref<128x128xf32, #tpu.memory_space<vmem>>) offsets(%dma_start3A_22 : memref<128xi32, #tpu.memory_space<vmem>>) semaphore(%arg17 : memref<!tpu.dma_semaphore, #tpu.memory_space<semaphore_mem>>)
    %dma_start3A_26 = arith.constant 0 : i32
    %dma_start3A_27 = arith.constant 0 : i32
    %dma_start3A_28 = arith.constant 0 : i32
    %dma_start3A_29 = arith.constant 0 : i32
    %dma_start3A_30 = tpu.memref_slice %arg16[%dma_start3A_27, %dma_start3A_28, %dma_start3A_29] : memref<2x128x128xf32, #tpu.memory_space<vmem>> -> memref<1x128x128xf32, #tpu.memory_space<vmem>>
    %dma_start3A_31 = tpu.memref_squeeze %dma_start3A_30 : memref<1x128x128xf32, #tpu.memory_space<vmem>> -> memref<128x128xf32, #tpu.memory_space<vmem>>
    %dma_start3A_32 = arith.constant 0 : i32
    %dma_start3A_33 = tpu.memref_slice %arg13[%dma_start3A_26, %dma_start3A_32] : memref<2x128xi32, #tpu.memory_space<vmem>> -> memref<1x128xi32, #tpu.memory_space<vmem>>
    %dma_start3A_34 = tpu.memref_squeeze %dma_start3A_33 : memref<1x128xi32, #tpu.memory_space<vmem>> -> memref<128xi32, #tpu.memory_space<vmem>>
    %dma_start3A_35 = arith.constant 0 : i32
    %dma_start3A_36 = arith.constant 0 : i32
    %dma_start3A_37 = tpu.memref_slice %arg6[%dma_start3A_35, %dma_start3A_36] : memref<13x128xf32, #tpu.memory_space<hbm>> -> memref<13x128xf32, #tpu.memory_space<hbm>>
    tpu.enqueue_indirect_dma source(%dma_start3A_37 : memref<13x128xf32, #tpu.memory_space<hbm>>) target(%dma_start3A_31 : memref<128x128xf32, #tpu.memory_space<vmem>>) offsets(%dma_start3A_34 : memref<128xi32, #tpu.memory_space<vmem>>) semaphore(%arg17 : memref<!tpu.dma_semaphore, #tpu.memory_space<semaphore_mem>>)
    %dma_start3A_38 = arith.constant 1 : i32
    %dma_start3A_39 = arith.constant 1 : i32
    %dma_start3A_40 = arith.constant 0 : i32
    %dma_start3A_41 = arith.constant 0 : i32
    %dma_start3A_42 = tpu.memref_slice %arg14[%dma_start3A_39, %dma_start3A_40, %dma_start3A_41] : memref<2x128x128xf32, #tpu.memory_space<vmem>> -> memref<1x128x128xf32, #tpu.memory_space<vmem>>
    %dma_start3A_43 = tpu.memref_squeeze %dma_start3A_42 : memref<1x128x128xf32, #tpu.memory_space<vmem>> -> memref<128x128xf32, #tpu.memory_space<vmem>>
    %dma_start3A_44 = arith.constant 0 : i32
    %dma_start3A_45 = tpu.memref_slice %arg11[%dma_start3A_38, %dma_start3A_44] : memref<2x128xi32, #tpu.memory_space<vmem>> -> memref<1x128xi32, #tpu.memory_space<vmem>>
    %dma_start3A_46 = tpu.memref_squeeze %dma_start3A_45 : memref<1x128xi32, #tpu.memory_space<vmem>> -> memref<128xi32, #tpu.memory_space<vmem>>
    %dma_start3A_47 = arith.constant 0 : i32
    %dma_start3A_48 = arith.constant 0 : i32
    %dma_start3A_49 = tpu.memref_slice %arg2[%dma_start3A_47, %dma_start3A_48] : memref<100000x128xf32, #tpu.memory_space<hbm>> -> memref<100000x128xf32, #tpu.memory_space<hbm>>
    tpu.enqueue_indirect_dma source(%dma_start3A_49 : memref<100000x128xf32, #tpu.memory_space<hbm>>) target(%dma_start3A_43 : memref<128x128xf32, #tpu.memory_space<vmem>>) offsets(%dma_start3A_46 : memref<128xi32, #tpu.memory_space<vmem>>) semaphore(%arg17 : memref<!tpu.dma_semaphore, #tpu.memory_space<semaphore_mem>>)
    %dma_start3A_50 = arith.constant 1 : i32
    %dma_start3A_51 = arith.constant 1 : i32
    %dma_start3A_52 = arith.constant 0 : i32
    %dma_start3A_53 = arith.constant 0 : i32
    %dma_start3A_54 = tpu.memref_slice %arg15[%dma_start3A_51, %dma_start3A_52, %dma_start3A_53] : memref<2x128x128xf32, #tpu.memory_space<vmem>> -> memref<1x128x128xf32, #tpu.memory_space<vmem>>
    %dma_start3A_55 = tpu.memref_squeeze %dma_start3A_54 : memref<1x128x128xf32, #tpu.memory_space<vmem>> -> memref<128x128xf32, #tpu.memory_space<vmem>>
    %dma_start3A_56 = arith.constant 0 : i32
    %dma_start3A_57 = tpu.memref_slice %arg12[%dma_start3A_50, %dma_start3A_56] : memref<2x128xi32, #tpu.memory_space<vmem>> -> memref<1x128xi32, #tpu.memory_space<vmem>>
    %dma_start3A_58 = tpu.memref_squeeze %dma_start3A_57 : memref<1x128xi32, #tpu.memory_space<vmem>> -> memref<128xi32, #tpu.memory_space<vmem>>
    %dma_start3A_59 = arith.constant 0 : i32
    %dma_start3A_60 = arith.constant 0 : i32
    %dma_start3A_61 = tpu.memref_slice %arg4[%dma_start3A_59, %dma_start3A_60] : memref<512x128xf32, #tpu.memory_space<hbm>> -> memref<512x128xf32, #tpu.memory_space<hbm>>
    tpu.enqueue_indirect_dma source(%dma_start3A_61 : memref<512x128xf32, #tpu.memory_space<hbm>>) target(%dma_start3A_55 : memref<128x128xf32, #tpu.memory_space<vmem>>) offsets(%dma_start3A_58 : memref<128xi32, #tpu.memory_space<vmem>>) semaphore(%arg17 : memref<!tpu.dma_semaphore, #tpu.memory_space<semaphore_mem>>)
    %dma_start3A_62 = arith.constant 1 : i32
    %dma_start3A_63 = arith.constant 1 : i32
    %dma_start3A_64 = arith.constant 0 : i32
    %dma_start3A_65 = arith.constant 0 : i32
    %dma_start3A_66 = tpu.memref_slice %arg16[%dma_start3A_63, %dma_start3A_64, %dma_start3A_65] : memref<2x128x128xf32, #tpu.memory_space<vmem>> -> memref<1x128x128xf32, #tpu.memory_space<vmem>>
    %dma_start3A_67 = tpu.memref_squeeze %dma_start3A_66 : memref<1x128x128xf32, #tpu.memory_space<vmem>> -> memref<128x128xf32, #tpu.memory_space<vmem>>
    %dma_start3A_68 = arith.constant 0 : i32
    %dma_start3A_69 = tpu.memref_slice %arg13[%dma_start3A_62, %dma_start3A_68] : memref<2x128xi32, #tpu.memory_space<vmem>> -> memref<1x128xi32, #tpu.memory_space<vmem>>
    %dma_start3A_70 = tpu.memref_squeeze %dma_start3A_69 : memref<1x128xi32, #tpu.memory_space<vmem>> -> memref<128xi32, #tpu.memory_space<vmem>>
    %dma_start3A_71 = arith.constant 0 : i32
    %dma_start3A_72 = arith.constant 0 : i32
    %dma_start3A_73 = tpu.memref_slice %arg6[%dma_start3A_71, %dma_start3A_72] : memref<13x128xf32, #tpu.memory_space<hbm>> -> memref<13x128xf32, #tpu.memory_space<hbm>>
    tpu.enqueue_indirect_dma source(%dma_start3A_73 : memref<13x128xf32, #tpu.memory_space<hbm>>) target(%dma_start3A_67 : memref<128x128xf32, #tpu.memory_space<vmem>>) offsets(%dma_start3A_70 : memref<128xi32, #tpu.memory_space<vmem>>) semaphore(%arg17 : memref<!tpu.dma_semaphore, #tpu.memory_space<semaphore_mem>>)
    %dma_wait3A = arith.constant 0 : i32
    %dma_wait3A_74 = arith.constant 0 : i32
    %dma_wait3A_75 = arith.constant 0 : i32
    %dma_wait3A_76 = arith.constant 0 : i32
    %dma_wait3A_77 = tpu.memref_slice %arg14[%dma_wait3A_74, %dma_wait3A_75, %dma_wait3A_76] : memref<2x128x128xf32, #tpu.memory_space<vmem>> -> memref<1x128x128xf32, #tpu.memory_space<vmem>>
    %dma_wait3A_78 = tpu.memref_squeeze %dma_wait3A_77 : memref<1x128x128xf32, #tpu.memory_space<vmem>> -> memref<128x128xf32, #tpu.memory_space<vmem>>
    %dma_wait3A_79 = arith.constant 0 : i32
    %dma_wait3A_80 = tpu.memref_slice %arg11[%dma_wait3A, %dma_wait3A_79] : memref<2x128xi32, #tpu.memory_space<vmem>> -> memref<1x128xi32, #tpu.memory_space<vmem>>
    %dma_wait3A_81 = tpu.memref_squeeze %dma_wait3A_80 : memref<1x128xi32, #tpu.memory_space<vmem>> -> memref<128xi32, #tpu.memory_space<vmem>>
    %dma_wait3A_82 = arith.constant 0 : i32
    %dma_wait3A_83 = arith.constant 0 : i32
    %dma_wait3A_84 = tpu.memref_slice %arg2[%dma_wait3A_82, %dma_wait3A_83] : memref<100000x128xf32, #tpu.memory_space<hbm>> -> memref<100000x128xf32, #tpu.memory_space<hbm>>
    tpu.wait_indirect_dma semaphore(%arg17 : memref<!tpu.dma_semaphore, #tpu.memory_space<semaphore_mem>>) src(%dma_wait3A_84 : memref<100000x128xf32, #tpu.memory_space<hbm>>) dst(%dma_wait3A_78 : memref<128x128xf32, #tpu.memory_space<vmem>>)
    %dma_wait3A_85 = arith.constant 0 : i32
    %dma_wait3A_86 = arith.constant 0 : i32
    %dma_wait3A_87 = arith.constant 0 : i32
    %dma_wait3A_88 = arith.constant 0 : i32
    %dma_wait3A_89 = tpu.memref_slice %arg15[%dma_wait3A_86, %dma_wait3A_87, %dma_wait3A_88] : memref<2x128x128xf32, #tpu.memory_space<vmem>> -> memref<1x128x128xf32, #tpu.memory_space<vmem>>
    %dma_wait3A_90 = tpu.memref_squeeze %dma_wait3A_89 : memref<1x128x128xf32, #tpu.memory_space<vmem>> -> memref<128x128xf32, #tpu.memory_space<vmem>>
    %dma_wait3A_91 = arith.constant 0 : i32
    %dma_wait3A_92 = tpu.memref_slice %arg12[%dma_wait3A_85, %dma_wait3A_91] : memref<2x128xi32, #tpu.memory_space<vmem>> -> memref<1x128xi32, #tpu.memory_space<vmem>>
    %dma_wait3A_93 = tpu.memref_squeeze %dma_wait3A_92 : memref<1x128xi32, #tpu.memory_space<vmem>> -> memref<128xi32, #tpu.memory_space<vmem>>
    %dma_wait3A_94 = arith.constant 0 : i32
    %dma_wait3A_95 = arith.constant 0 : i32
    %dma_wait3A_96 = tpu.memref_slice %arg4[%dma_wait3A_94, %dma_wait3A_95] : memref<512x128xf32, #tpu.memory_space<hbm>> -> memref<512x128xf32, #tpu.memory_space<hbm>>
    tpu.wait_indirect_dma semaphore(%arg17 : memref<!tpu.dma_semaphore, #tpu.memory_space<semaphore_mem>>) src(%dma_wait3A_96 : memref<512x128xf32, #tpu.memory_space<hbm>>) dst(%dma_wait3A_90 : memref<128x128xf32, #tpu.memory_space<vmem>>)
    %dma_wait3A_97 = arith.constant 0 : i32
    %dma_wait3A_98 = arith.constant 0 : i32
    %dma_wait3A_99 = arith.constant 0 : i32
    %dma_wait3A_100 = arith.constant 0 : i32
    %dma_wait3A_101 = tpu.memref_slice %arg16[%dma_wait3A_98, %dma_wait3A_99, %dma_wait3A_100] : memref<2x128x128xf32, #tpu.memory_space<vmem>> -> memref<1x128x128xf32, #tpu.memory_space<vmem>>
    %dma_wait3A_102 = tpu.memref_squeeze %dma_wait3A_101 : memref<1x128x128xf32, #tpu.memory_space<vmem>> -> memref<128x128xf32, #tpu.memory_space<vmem>>
    %dma_wait3A_103 = arith.constant 0 : i32
    %dma_wait3A_104 = tpu.memref_slice %arg13[%dma_wait3A_97, %dma_wait3A_103] : memref<2x128xi32, #tpu.memory_space<vmem>> -> memref<1x128xi32, #tpu.memory_space<vmem>>
    %dma_wait3A_105 = tpu.memref_squeeze %dma_wait3A_104 : memref<1x128xi32, #tpu.memory_space<vmem>> -> memref<128xi32, #tpu.memory_space<vmem>>
    %dma_wait3A_106 = arith.constant 0 : i32
    %dma_wait3A_107 = arith.constant 0 : i32
    %dma_wait3A_108 = tpu.memref_slice %arg6[%dma_wait3A_106, %dma_wait3A_107] : memref<13x128xf32, #tpu.memory_space<hbm>> -> memref<13x128xf32, #tpu.memory_space<hbm>>
    tpu.wait_indirect_dma semaphore(%arg17 : memref<!tpu.dma_semaphore, #tpu.memory_space<semaphore_mem>>) src(%dma_wait3A_108 : memref<13x128xf32, #tpu.memory_space<hbm>>) dst(%dma_wait3A_102 : memref<128x128xf32, #tpu.memory_space<vmem>>)
    %dma_wait3A_109 = arith.constant 1 : i32
    %dma_wait3A_110 = arith.constant 1 : i32
    %dma_wait3A_111 = arith.constant 0 : i32
    %dma_wait3A_112 = arith.constant 0 : i32
    %dma_wait3A_113 = tpu.memref_slice %arg14[%dma_wait3A_110, %dma_wait3A_111, %dma_wait3A_112] : memref<2x128x128xf32, #tpu.memory_space<vmem>> -> memref<1x128x128xf32, #tpu.memory_space<vmem>>
    %dma_wait3A_114 = tpu.memref_squeeze %dma_wait3A_113 : memref<1x128x128xf32, #tpu.memory_space<vmem>> -> memref<128x128xf32, #tpu.memory_space<vmem>>
    %dma_wait3A_115 = arith.constant 0 : i32
    %dma_wait3A_116 = tpu.memref_slice %arg11[%dma_wait3A_109, %dma_wait3A_115] : memref<2x128xi32, #tpu.memory_space<vmem>> -> memref<1x128xi32, #tpu.memory_space<vmem>>
    %dma_wait3A_117 = tpu.memref_squeeze %dma_wait3A_116 : memref<1x128xi32, #tpu.memory_space<vmem>> -> memref<128xi32, #tpu.memory_space<vmem>>
    %dma_wait3A_118 = arith.constant 0 : i32
    %dma_wait3A_119 = arith.constant 0 : i32
    %dma_wait3A_120 = tpu.memref_slice %arg2[%dma_wait3A_118, %dma_wait3A_119] : memref<100000x128xf32, #tpu.memory_space<hbm>> -> memref<100000x128xf32, #tpu.memory_space<hbm>>
    tpu.wait_indirect_dma semaphore(%arg17 : memref<!tpu.dma_semaphore, #tpu.memory_space<semaphore_mem>>) src(%dma_wait3A_120 : memref<100000x128xf32, #tpu.memory_space<hbm>>) dst(%dma_wait3A_114 : memref<128x128xf32, #tpu.memory_space<vmem>>)
    %dma_wait3A_121 = arith.constant 1 : i32
    %dma_wait3A_122 = arith.constant 1 : i32
    %dma_wait3A_123 = arith.constant 0 : i32
    %dma_wait3A_124 = arith.constant 0 : i32
    %dma_wait3A_125 = tpu.memref_slice %arg15[%dma_wait3A_122, %dma_wait3A_123, %dma_wait3A_124] : memref<2x128x128xf32, #tpu.memory_space<vmem>> -> memref<1x128x128xf32, #tpu.memory_space<vmem>>
    %dma_wait3A_126 = tpu.memref_squeeze %dma_wait3A_125 : memref<1x128x128xf32, #tpu.memory_space<vmem>> -> memref<128x128xf32, #tpu.memory_space<vmem>>
    %dma_wait3A_127 = arith.constant 0 : i32
    %dma_wait3A_128 = tpu.memref_slice %arg12[%dma_wait3A_121, %dma_wait3A_127] : memref<2x128xi32, #tpu.memory_space<vmem>> -> memref<1x128xi32, #tpu.memory_space<vmem>>
    %dma_wait3A_129 = tpu.memref_squeeze %dma_wait3A_128 : memref<1x128xi32, #tpu.memory_space<vmem>> -> memref<128xi32, #tpu.memory_space<vmem>>
    %dma_wait3A_130 = arith.constant 0 : i32
    %dma_wait3A_131 = arith.constant 0 : i32
    %dma_wait3A_132 = tpu.memref_slice %arg4[%dma_wait3A_130, %dma_wait3A_131] : memref<512x128xf32, #tpu.memory_space<hbm>> -> memref<512x128xf32, #tpu.memory_space<hbm>>
    tpu.wait_indirect_dma semaphore(%arg17 : memref<!tpu.dma_semaphore, #tpu.memory_space<semaphore_mem>>) src(%dma_wait3A_132 : memref<512x128xf32, #tpu.memory_space<hbm>>) dst(%dma_wait3A_126 : memref<128x128xf32, #tpu.memory_space<vmem>>)
    %dma_wait3A_133 = arith.constant 1 : i32
    %dma_wait3A_134 = arith.constant 1 : i32
    %dma_wait3A_135 = arith.constant 0 : i32
    %dma_wait3A_136 = arith.constant 0 : i32
    %dma_wait3A_137 = tpu.memref_slice %arg16[%dma_wait3A_134, %dma_wait3A_135, %dma_wait3A_136] : memref<2x128x128xf32, #tpu.memory_space<vmem>> -> memref<1x128x128xf32, #tpu.memory_space<vmem>>
    %dma_wait3A_138 = tpu.memref_squeeze %dma_wait3A_137 : memref<1x128x128xf32, #tpu.memory_space<vmem>> -> memref<128x128xf32, #tpu.memory_space<vmem>>
    %dma_wait3A_139 = arith.constant 0 : i32
    %dma_wait3A_140 = tpu.memref_slice %arg13[%dma_wait3A_133, %dma_wait3A_139] : memref<2x128xi32, #tpu.memory_space<vmem>> -> memref<1x128xi32, #tpu.memory_space<vmem>>
    %dma_wait3A_141 = tpu.memref_squeeze %dma_wait3A_140 : memref<1x128xi32, #tpu.memory_space<vmem>> -> memref<128xi32, #tpu.memory_space<vmem>>
    %dma_wait3A_142 = arith.constant 0 : i32
    %dma_wait3A_143 = arith.constant 0 : i32
    %dma_wait3A_144 = tpu.memref_slice %arg6[%dma_wait3A_142, %dma_wait3A_143] : memref<13x128xf32, #tpu.memory_space<hbm>> -> memref<13x128xf32, #tpu.memory_space<hbm>>
    tpu.wait_indirect_dma semaphore(%arg17 : memref<!tpu.dma_semaphore, #tpu.memory_space<semaphore_mem>>) src(%dma_wait3A_144 : memref<13x128xf32, #tpu.memory_space<hbm>>) dst(%dma_wait3A_138 : memref<128x128xf32, #tpu.memory_space<vmem>>)
    "tpu.region"() ({
      %run_scoped3A = tpu.sem_alloc : memref<!tpu.dma_semaphore, #tpu.memory_space<semaphore_mem>>
      %dma_start3A_145 = arith.constant 0 : i32
      %dma_start3A_146 = arith.constant 0 : i32
      %dma_start3A_147 = tpu.memref_slice %arg8[%mul3A_2, %dma_start3A_145, %dma_start3A_146] : memref<64x128x128xf32, #tpu.memory_space<hbm>> -> memref<2x128x128xf32, #tpu.memory_space<hbm>>
      %dma_start3A_148 = arith.constant 0 : i32
      %dma_start3A_149 = arith.constant 0 : i32
      %dma_start3A_150 = tpu.memref_slice %arg8[%mul3A_2, %dma_start3A_148, %dma_start3A_149] : memref<64x128x128xf32, #tpu.memory_space<hbm>> -> memref<2x128x128xf32, #tpu.memory_space<hbm>>
      tpu.enqueue_dma source(%arg14 : memref<2x128x128xf32, #tpu.memory_space<vmem>>) target(%dma_start3A_150 : memref<2x128x128xf32, #tpu.memory_space<hbm>>) target_semaphore(%run_scoped3A : memref<!tpu.dma_semaphore, #tpu.memory_space<semaphore_mem>>)
      %dma_wait3A_151 = arith.constant 0 : i32
      %dma_wait3A_152 = arith.constant 0 : i32
      %dma_wait3A_153 = tpu.memref_slice %arg8[%mul3A_2, %dma_wait3A_151, %dma_wait3A_152] : memref<64x128x128xf32, #tpu.memory_space<hbm>> -> memref<2x128x128xf32, #tpu.memory_space<hbm>>
      %dma_wait3A_154 = arith.constant 0 : i32
      %dma_wait3A_155 = arith.constant 0 : i32
      %dma_wait3A_156 = tpu.memref_slice %arg8[%mul3A_2, %dma_wait3A_154, %dma_wait3A_155] : memref<64x128x128xf32, #tpu.memory_space<hbm>> -> memref<2x128x128xf32, #tpu.memory_space<hbm>>
      tpu.wait_dma2 semaphore(%run_scoped3A : memref<!tpu.dma_semaphore, #tpu.memory_space<semaphore_mem>>) src(%arg14 : memref<2x128x128xf32, #tpu.memory_space<vmem>>) dst(%dma_wait3A_156 : memref<2x128x128xf32, #tpu.memory_space<hbm>>)
      tpu.yield
    }) : () -> ()
    "tpu.region"() ({
      %run_scoped3A = tpu.sem_alloc : memref<!tpu.dma_semaphore, #tpu.memory_space<semaphore_mem>>
      %dma_start3A_145 = arith.constant 0 : i32
      %dma_start3A_146 = arith.constant 0 : i32
      %dma_start3A_147 = tpu.memref_slice %arg9[%mul3A_2, %dma_start3A_145, %dma_start3A_146] : memref<64x128x128xf32, #tpu.memory_space<hbm>> -> memref<2x128x128xf32, #tpu.memory_space<hbm>>
      %dma_start3A_148 = arith.constant 0 : i32
      %dma_start3A_149 = arith.constant 0 : i32
      %dma_start3A_150 = tpu.memref_slice %arg9[%mul3A_2, %dma_start3A_148, %dma_start3A_149] : memref<64x128x128xf32, #tpu.memory_space<hbm>> -> memref<2x128x128xf32, #tpu.memory_space<hbm>>
      tpu.enqueue_dma source(%arg15 : memref<2x128x128xf32, #tpu.memory_space<vmem>>) target(%dma_start3A_150 : memref<2x128x128xf32, #tpu.memory_space<hbm>>) target_semaphore(%run_scoped3A : memref<!tpu.dma_semaphore, #tpu.memory_space<semaphore_mem>>)
      %dma_wait3A_151 = arith.constant 0 : i32
      %dma_wait3A_152 = arith.constant 0 : i32
      %dma_wait3A_153 = tpu.memref_slice %arg9[%mul3A_2, %dma_wait3A_151, %dma_wait3A_152] : memref<64x128x128xf32, #tpu.memory_space<hbm>> -> memref<2x128x128xf32, #tpu.memory_space<hbm>>
      %dma_wait3A_154 = arith.constant 0 : i32
      %dma_wait3A_155 = arith.constant 0 : i32
      %dma_wait3A_156 = tpu.memref_slice %arg9[%mul3A_2, %dma_wait3A_154, %dma_wait3A_155] : memref<64x128x128xf32, #tpu.memory_space<hbm>> -> memref<2x128x128xf32, #tpu.memory_space<hbm>>
      tpu.wait_dma2 semaphore(%run_scoped3A : memref<!tpu.dma_semaphore, #tpu.memory_space<semaphore_mem>>) src(%arg15 : memref<2x128x128xf32, #tpu.memory_space<vmem>>) dst(%dma_wait3A_156 : memref<2x128x128xf32, #tpu.memory_space<hbm>>)
      tpu.yield
    }) : () -> ()
    "tpu.region"() ({
      %run_scoped3A = tpu.sem_alloc : memref<!tpu.dma_semaphore, #tpu.memory_space<semaphore_mem>>
      %dma_start3A_145 = arith.constant 0 : i32
      %dma_start3A_146 = arith.constant 0 : i32
      %dma_start3A_147 = tpu.memref_slice %arg10[%mul3A_2, %dma_start3A_145, %dma_start3A_146] : memref<64x128x128xf32, #tpu.memory_space<hbm>> -> memref<2x128x128xf32, #tpu.memory_space<hbm>>
      %dma_start3A_148 = arith.constant 0 : i32
      %dma_start3A_149 = arith.constant 0 : i32
      %dma_start3A_150 = tpu.memref_slice %arg10[%mul3A_2, %dma_start3A_148, %dma_start3A_149] : memref<64x128x128xf32, #tpu.memory_space<hbm>> -> memref<2x128x128xf32, #tpu.memory_space<hbm>>
      tpu.enqueue_dma source(%arg16 : memref<2x128x128xf32, #tpu.memory_space<vmem>>) target(%dma_start3A_150 : memref<2x128x128xf32, #tpu.memory_space<hbm>>) target_semaphore(%run_scoped3A : memref<!tpu.dma_semaphore, #tpu.memory_space<semaphore_mem>>)
      %dma_wait3A_151 = arith.constant 0 : i32
      %dma_wait3A_152 = arith.constant 0 : i32
      %dma_wait3A_153 = tpu.memref_slice %arg10[%mul3A_2, %dma_wait3A_151, %dma_wait3A_152] : memref<64x128x128xf32, #tpu.memory_space<hbm>> -> memref<2x128x128xf32, #tpu.memory_space<hbm>>
      %dma_wait3A_154 = arith.constant 0 : i32
      %dma_wait3A_155 = arith.constant 0 : i32
      %dma_wait3A_156 = tpu.memref_slice %arg10[%mul3A_2, %dma_wait3A_154, %dma_wait3A_155] : memref<64x128x128xf32, #tpu.memory_space<hbm>> -> memref<2x128x128xf32, #tpu.memory_space<hbm>>
      tpu.wait_dma2 semaphore(%run_scoped3A : memref<!tpu.dma_semaphore, #tpu.memory_space<semaphore_mem>>) src(%arg16 : memref<2x128x128xf32, #tpu.memory_space<vmem>>) dst(%dma_wait3A_156 : memref<2x128x128xf32, #tpu.memory_space<hbm>>)
      tpu.yield
    }) : () -> ()
    return
  }
}

module attributes {stable_mosaic.version = 14 : i64} {
  func.func @_pad_body(%arg0: i32, %arg1: memref<100x4096xf32, #tpu.memory_space<vmem>>, %arg2: memref<4096x128xf32, #tpu.memory_space<vmem>>) attributes {dimension_semantics = [#tpu.dimension_semantics<arbitrary>], iteration_bounds = array<i64: 25>, scalar_prefetch = 0 : i64, scratch_operands = 0 : i64, tpu.core_type = #tpu.core_type<tc>, window_params = [{transform_indices = @transform_0, window_bounds = array<i64: 100, 4096>}, {transform_indices = @transform_1, window_bounds = array<i64: 4096, 128>}]} {
    %iota3A = tpu.iota {dimensions = array<i32: 0>} : vector<100x128xi32>
    %iota3A_0 = tpu.iota {dimensions = array<i32: 1>} : vector<100x128xi32>
    %eq3A = arith.cmpi eq, %iota3A, %iota3A_0 : vector<100x128xi32>
    %jit3A = arith.constant 1.000000e+00 : f32
    %jit3A_1 = arith.constant 0.000000e+00 : f32
    %broadcast_in_dim3A = vector.broadcast %jit3A : f32 to vector<100x128xf32>
    %broadcast_in_dim3A_2 = vector.broadcast %jit3A_1 : f32 to vector<100x128xf32>
    %select_n3A = arith.select %eq3A, %broadcast_in_dim3A, %broadcast_in_dim3A_2 : vector<100x128xi1>, vector<100x128xf32>
    %get3A = arith.constant 0 : index
    %get3A_3 = arith.constant 0 : index
    %get3A_4 = vector.load %arg1[%get3A, %get3A_3] : memref<100x4096xf32, #tpu.memory_space<vmem>>, vector<100x4096xf32>
    %dot_general3A = arith.constant dense<0.000000e+00> : vector<4096x128xf32>
    %dot_general3A_5 = tpu.matmul %get3A_4, %select_n3A, %dot_general3A {dimension_numbers = #tpu.dot_dimension_numbers<[0], [0], [1], [1], [0, 1, 1, 1], [], []>, transpose_lhs_hint = false} : vector<100x4096xf32>, vector<100x128xf32>, vector<4096x128xf32> -> vector<4096x128xf32>
    %swap3A = arith.constant 0 : index
    %swap3A_6 = arith.constant 0 : index
    %swap3A_7 = vector.load %arg2[%swap3A, %swap3A_6] : memref<4096x128xf32, #tpu.memory_space<vmem>>, vector<4096x128xf32>
    tpu.vector_store %arg2[%swap3A, %swap3A_6], %dot_general3A_5 {strides = array<i32>} : memref<4096x128xf32, #tpu.memory_space<vmem>>, vector<4096x128xf32>,
    return
  }
  func.func @transform_0(%arg0: i32) -> (i32, i32) {
    %c0_i32 = arith.constant 0 : i32
    %c0_i32_0 = arith.constant 0 : i32
    return %c0_i32, %arg0 : i32, i32
  }
  func.func @transform_1(%arg0: i32) -> (i32, i32) {
    %c0_i32 = arith.constant 0 : i32
    %c0_i32_0 = arith.constant 0 : i32
    return %arg0, %c0_i32 : i32, i32
  }
}

module attributes {stable_mosaic.version = 14 : i64} {
  func.func @_proj_body(%arg0: i32, %arg1: memref<1024x128xf32, #tpu.memory_space<vmem>>, %arg2: memref<1024x128xf32, #tpu.memory_space<vmem>>, %arg3: memref<1024x128xf32, #tpu.memory_space<vmem>>, %arg4: memref<128x256xf32, #tpu.memory_space<vmem>>, %arg5: memref<128x256xf32, #tpu.memory_space<vmem>>, %arg6: memref<128x256xf32, #tpu.memory_space<vmem>>, %arg7: memref<1x256xf32, #tpu.memory_space<vmem>>, %arg8: memref<1024x256xf32, #tpu.memory_space<vmem>>) attributes {dimension_semantics = [#tpu.dimension_semantics<arbitrary>], iteration_bounds = array<i64: 8>, scalar_prefetch = 0 : i64, scratch_operands = 0 : i64, tpu.core_type = #tpu.core_type<tc>, window_params = [{transform_indices = @transform_0, window_bounds = array<i64: 1024, 128>}, {transform_indices = @transform_1, window_bounds = array<i64: 1024, 128>}, {transform_indices = @transform_2, window_bounds = array<i64: 1024, 128>}, {pipeline_mode = #tpu.pipeline_mode<synchronous>, transform_indices = @transform_3, window_bounds = array<i64: 128, 256>}, {pipeline_mode = #tpu.pipeline_mode<synchronous>, transform_indices = @transform_4, window_bounds = array<i64: 128, 256>}, {pipeline_mode = #tpu.pipeline_mode<synchronous>, transform_indices = @transform_5, window_bounds = array<i64: 128, 256>}, {pipeline_mode = #tpu.pipeline_mode<synchronous>, transform_indices = @transform_6, window_bounds = array<i64: 1, 256>}, {transform_indices = @transform_7, window_bounds = array<i64: 1024, 256>}]} {
    %get3A = arith.constant 0 : index
    %get3A_0 = arith.constant 0 : index
    %get3A_1 = vector.load %arg1[%get3A, %get3A_0] : memref<1024x128xf32, #tpu.memory_space<vmem>>, vector<1024x128xf32>
    %get3A_2 = arith.constant 0 : index
    %get3A_3 = arith.constant 0 : index
    %get3A_4 = vector.load %arg4[%get3A_2, %get3A_3] : memref<128x256xf32, #tpu.memory_space<vmem>>, vector<128x256xf32>
    %dot_general3A = arith.constant dense<0.000000e+00> : vector<1024x256xf32>
    %dot_general3A_5 = tpu.matmul %get3A_1, %get3A_4, %dot_general3A {dimension_numbers = #tpu.dot_dimension_numbers<[1], [0], [0], [1], [0, 0, 1, 1], [], []>, transpose_lhs_hint = false} : vector<1024x128xf32>, vector<128x256xf32>, vector<1024x256xf32> -> vector<1024x256xf32>
    %get3A_6 = arith.constant 0 : index
    %get3A_7 = arith.constant 0 : index
    %get3A_8 = vector.load %arg2[%get3A_6, %get3A_7] : memref<1024x128xf32, #tpu.memory_space<vmem>>, vector<1024x128xf32>
    %get3A_9 = arith.constant 0 : index
    %get3A_10 = arith.constant 0 : index
    %get3A_11 = vector.load %arg5[%get3A_9, %get3A_10] : memref<128x256xf32, #tpu.memory_space<vmem>>, vector<128x256xf32>
    %dot_general3A_12 = arith.constant dense<0.000000e+00> : vector<1024x256xf32>
    %dot_general3A_13 = tpu.matmul %get3A_8, %get3A_11, %dot_general3A_12 {dimension_numbers = #tpu.dot_dimension_numbers<[1], [0], [0], [1], [0, 0, 1, 1], [], []>, transpose_lhs_hint = false} : vector<1024x128xf32>, vector<128x256xf32>, vector<1024x256xf32> -> vector<1024x256xf32>
    %add3A = arith.addf %dot_general3A_5, %dot_general3A_13 : vector<1024x256xf32>
    %get3A_14 = arith.constant 0 : index
    %get3A_15 = arith.constant 0 : index
    %get3A_16 = vector.load %arg3[%get3A_14, %get3A_15] : memref<1024x128xf32, #tpu.memory_space<vmem>>, vector<1024x128xf32>
    %get3A_17 = arith.constant 0 : index
    %get3A_18 = arith.constant 0 : index
    %get3A_19 = vector.load %arg6[%get3A_17, %get3A_18] : memref<128x256xf32, #tpu.memory_space<vmem>>, vector<128x256xf32>
    %dot_general3A_20 = arith.constant dense<0.000000e+00> : vector<1024x256xf32>
    %dot_general3A_21 = tpu.matmul %get3A_16, %get3A_19, %dot_general3A_20 {dimension_numbers = #tpu.dot_dimension_numbers<[1], [0], [0], [1], [0, 0, 1, 1], [], []>, transpose_lhs_hint = false} : vector<1024x128xf32>, vector<128x256xf32>, vector<1024x256xf32> -> vector<1024x256xf32>
    %add3A_22 = arith.addf %add3A, %dot_general3A_21 : vector<1024x256xf32>
    %get3A_23 = arith.constant 0 : index
    %get3A_24 = arith.constant 0 : index
    %get3A_25 = vector.load %arg7[%get3A_23, %get3A_24] : memref<1x256xf32, #tpu.memory_space<vmem>>, vector<1x256xf32>
    %add3A_26 = vector.broadcast %get3A_25 : vector<1x256xf32> to vector<1024x256xf32>
    %add3A_27 = arith.addf %add3A_22, %add3A_26 : vector<1024x256xf32>
    %swap3A = arith.constant 0 : index
    %swap3A_28 = arith.constant 0 : index
    %swap3A_29 = vector.load %arg8[%swap3A, %swap3A_28] : memref<1024x256xf32, #tpu.memory_space<vmem>>, vector<1024x256xf32>
    tpu.vector_store %arg8[%swap3A, %swap3A_28], %add3A_27 {strides = array<i32>} : memref<1024x256xf32, #tpu.memory_space<vmem>>, vector<1024x256xf32>,
    return
  }
  func.func @transform_0(%arg0: i32) -> (i32, i32) {
    %c0_i32 = arith.constant 0 : i32
    %c0_i32_0 = arith.constant 0 : i32
    return %arg0, %c0_i32 : i32, i32
  }
  func.func @transform_1(%arg0: i32) -> (i32, i32) {
    %c0_i32 = arith.constant 0 : i32
    %c0_i32_0 = arith.constant 0 : i32
    return %arg0, %c0_i32 : i32, i32
  }
  func.func @transform_2(%arg0: i32) -> (i32, i32) {
    %c0_i32 = arith.constant 0 : i32
    %c0_i32_0 = arith.constant 0 : i32
    return %arg0, %c0_i32 : i32, i32
  }
  func.func @transform_3(%arg0: i32) -> (i32, i32) {
    %c0_i32 = arith.constant 0 : i32
    %c0_i32_0 = arith.constant 0 : i32
    %c0_i32_1 = arith.constant 0 : i32
    return %c0_i32, %c0_i32_0 : i32, i32
  }
  func.func @transform_4(%arg0: i32) -> (i32, i32) {
    %c0_i32 = arith.constant 0 : i32
    %c0_i32_0 = arith.constant 0 : i32
    %c0_i32_1 = arith.constant 0 : i32
    return %c0_i32, %c0_i32_0 : i32, i32
  }
  func.func @transform_5(%arg0: i32) -> (i32, i32) {
    %c0_i32 = arith.constant 0 : i32
    %c0_i32_0 = arith.constant 0 : i32
    %c0_i32_1 = arith.constant 0 : i32
    return %c0_i32, %c0_i32_0 : i32, i32
  }
  func.func @transform_6(%arg0: i32) -> (i32, i32) {
    %c0_i32 = arith.constant 0 : i32
    %c0_i32_0 = arith.constant 0 : i32
    %c0_i32_1 = arith.constant 0 : i32
    return %c0_i32, %c0_i32_0 : i32, i32
  }
  func.func @transform_7(%arg0: i32) -> (i32, i32) {
    %c0_i32 = arith.constant 0 : i32
    %c0_i32_0 = arith.constant 0 : i32
    return %arg0, %c0_i32 : i32, i32
  }
}

module attributes {stable_mosaic.version = 14 : i64} {
  func.func @_rnn_body(%arg0: i32, %arg1: memref<512x16x256xf32, #tpu.memory_space<vmem>>, %arg2: memref<256x256xf32, #tpu.memory_space<vmem>>, %arg3: memref<512x16x128xf32, #tpu.memory_space<vmem>>, %arg4: memref<512x16x128xf32, #tpu.memory_space<vmem>>) attributes {dimension_semantics = [#tpu.dimension_semantics<arbitrary>], iteration_bounds = array<i64: 1>, scalar_prefetch = 0 : i64, scratch_operands = 0 : i64, tpu.core_type = #tpu.core_type<tc>, window_params = [{pipeline_mode = #tpu.pipeline_mode<synchronous>, transform_indices = @transform_0, window_bounds = array<i64: 512, 16, 256>}, {pipeline_mode = #tpu.pipeline_mode<synchronous>, transform_indices = @transform_1, window_bounds = array<i64: 256, 256>}, {pipeline_mode = #tpu.pipeline_mode<synchronous>, transform_indices = @transform_2, window_bounds = array<i64: 512, 16, 128>}, {pipeline_mode = #tpu.pipeline_mode<synchronous>, transform_indices = @transform_3, window_bounds = array<i64: 512, 16, 128>}]} {
    %get3A = arith.constant 0 : index
    %get3A_0 = arith.constant 0 : index
    %get3A_1 = vector.load %arg2[%get3A, %get3A_0] : memref<256x256xf32, #tpu.memory_space<vmem>>, vector<256x256xf32>
    %broadcast_in_dim3A = arith.constant 0.000000e+00 : f32
    %broadcast_in_dim3A_2 = vector.broadcast %broadcast_in_dim3A : f32 to vector<16x256xf32>
    %scan3A = arith.constant 0 : i32
    %scan3A_3 = arith.constant 512 : i32
    %scan3A_4 = arith.addi %scan3A, %scan3A_3 : i32
    %scan3A_5 = arith.constant 8 : i32
    %scan3A_6 = scf.for %scan3A_8 = %scan3A to %scan3A_4 step %scan3A_5 iter_args(%scan3A_9 = %broadcast_in_dim3A_2) -> (vector<16x256xf32>)  : i32 {
      %get3A_10 = arith.index_cast %scan3A_8 : i32 to index
      %get3A_11 = arith.constant 0 : index
      %get3A_12 = arith.constant 0 : index
      %get3A_13 = vector.load %arg1[%get3A_10, %get3A_11, %get3A_12] : memref<512x16x256xf32, #tpu.memory_space<vmem>>, vector<1x16x256xf32>
      %get3A_14 = vector.shape_cast %get3A_13 : vector<1x16x256xf32> to vector<16x256xf32>
      %slice3A = vector.extract_strided_slice %get3A_14 {offsets = [0, 0], sizes = [16, 128], strides = [1, 1]} : vector<16x256xf32> to vector<16x128xf32>
      %sub3A = arith.constant 511 : i32
      %sub3A_15 = arith.subi %sub3A, %scan3A_8 : i32
      %get3A_16 = arith.index_cast %sub3A_15 : i32 to index
      %get3A_17 = arith.constant 0 : index
      %get3A_18 = arith.constant 0 : index
      %get3A_19 = vector.load %arg1[%get3A_16, %get3A_17, %get3A_18] : memref<512x16x256xf32, #tpu.memory_space<vmem>>, vector<1x16x256xf32>
      %get3A_20 = vector.shape_cast %get3A_19 : vector<1x16x256xf32> to vector<16x256xf32>
      %slice3A_21 = vector.extract_strided_slice %get3A_20 {offsets = [0, 128], sizes = [16, 128], strides = [1, 1]} : vector<16x256xf32> to vector<16x128xf32>
      %concatenate3A = tpu.concatenate %slice3A, %slice3A_21 in 1 : vector<16x128xf32>, vector<16x128xf32> -> vector<16x256xf32>
      %dot_general3A = arith.constant dense<0.000000e+00> : vector<16x256xf32>
      %dot_general3A_22 = tpu.matmul %scan3A_9, %get3A_1, %dot_general3A {dimension_numbers = #tpu.dot_dimension_numbers<[1], [0], [0], [1], [0, 0, 1, 1], [], []>, transpose_lhs_hint = false} : vector<16x256xf32>, vector<256x256xf32>, vector<16x256xf32> -> vector<16x256xf32>
      %add3A = arith.addf %concatenate3A, %dot_general3A_22 : vector<16x256xf32>
      %tanh3A = math.tanh %add3A : vector<16x256xf32>
      %slice3A_23 = vector.extract_strided_slice %tanh3A {offsets = [0, 0], sizes = [16, 128], strides = [1, 1]} : vector<16x256xf32> to vector<16x128xf32>
      %swap3A = arith.index_cast %scan3A_8 : i32 to index
      %swap3A_24 = arith.constant 0 : index
      %swap3A_25 = arith.constant 0 : index
      %swap3A_26 = vector.load %arg3[%swap3A, %swap3A_24, %swap3A_25] : memref<512x16x128xf32, #tpu.memory_space<vmem>>, vector<1x16x128xf32>
      %swap3A_27 = vector.shape_cast %swap3A_26 : vector<1x16x128xf32> to vector<16x128xf32>
      %swap3A_28 = vector.shape_cast %slice3A_23 : vector<16x128xf32> to vector<1x16x128xf32>
      tpu.vector_store %arg3[%swap3A, %swap3A_24, %swap3A_25], %swap3A_28 {strides = array<i32>} : memref<512x16x128xf32, #tpu.memory_space<vmem>>, vector<1x16x128xf32>,
      %slice3A_29 = vector.extract_strided_slice %tanh3A {offsets = [0, 128], sizes = [16, 128], strides = [1, 1]} : vector<16x256xf32> to vector<16x128xf32>
      %sub3A_30 = arith.constant 511 : i32
      %sub3A_31 = arith.subi %sub3A_30, %scan3A_8 : i32
      %swap3A_32 = arith.index_cast %sub3A_31 : i32 to index
      %swap3A_33 = arith.constant 0 : index
      %swap3A_34 = arith.constant 0 : index
      %swap3A_35 = vector.load %arg4[%swap3A_32, %swap3A_33, %swap3A_34] : memref<512x16x128xf32, #tpu.memory_space<vmem>>, vector<1x16x128xf32>
      %swap3A_36 = vector.shape_cast %swap3A_35 : vector<1x16x128xf32> to vector<16x128xf32>
      %swap3A_37 = vector.shape_cast %slice3A_29 : vector<16x128xf32> to vector<1x16x128xf32>
      tpu.vector_store %arg4[%swap3A_32, %swap3A_33, %swap3A_34], %swap3A_37 {strides = array<i32>} : memref<512x16x128xf32, #tpu.memory_space<vmem>>, vector<1x16x128xf32>,
      %scan3A_38 = arith.constant 1 : i32
      %scan3A_39 = arith.addi %scan3A_8, %scan3A_38 : i32
      %get3A_40 = arith.index_cast %scan3A_39 : i32 to index
      %get3A_41 = arith.constant 0 : index
      %get3A_42 = arith.constant 0 : index
      %get3A_43 = vector.load %arg1[%get3A_40, %get3A_41, %get3A_42] : memref<512x16x256xf32, #tpu.memory_space<vmem>>, vector<1x16x256xf32>
      %get3A_44 = vector.shape_cast %get3A_43 : vector<1x16x256xf32> to vector<16x256xf32>
      %slice3A_45 = vector.extract_strided_slice %get3A_44 {offsets = [0, 0], sizes = [16, 128], strides = [1, 1]} : vector<16x256xf32> to vector<16x128xf32>
      %sub3A_46 = arith.constant 511 : i32
      %sub3A_47 = arith.subi %sub3A_46, %scan3A_39 : i32
      %get3A_48 = arith.index_cast %sub3A_47 : i32 to index
      %get3A_49 = arith.constant 0 : index
      %get3A_50 = arith.constant 0 : index
      %get3A_51 = vector.load %arg1[%get3A_48, %get3A_49, %get3A_50] : memref<512x16x256xf32, #tpu.memory_space<vmem>>, vector<1x16x256xf32>
      %get3A_52 = vector.shape_cast %get3A_51 : vector<1x16x256xf32> to vector<16x256xf32>
      %slice3A_53 = vector.extract_strided_slice %get3A_52 {offsets = [0, 128], sizes = [16, 128], strides = [1, 1]} : vector<16x256xf32> to vector<16x128xf32>
      %concatenate3A_54 = tpu.concatenate %slice3A_45, %slice3A_53 in 1 : vector<16x128xf32>, vector<16x128xf32> -> vector<16x256xf32>
      %dot_general3A_55 = arith.constant dense<0.000000e+00> : vector<16x256xf32>
      %dot_general3A_56 = tpu.matmul %tanh3A, %get3A_1, %dot_general3A_55 {dimension_numbers = #tpu.dot_dimension_numbers<[1], [0], [0], [1], [0, 0, 1, 1], [], []>, transpose_lhs_hint = false} : vector<16x256xf32>, vector<256x256xf32>, vector<16x256xf32> -> vector<16x256xf32>
      %add3A_57 = arith.addf %concatenate3A_54, %dot_general3A_56 : vector<16x256xf32>
      %tanh3A_58 = math.tanh %add3A_57 : vector<16x256xf32>
      %slice3A_59 = vector.extract_strided_slice %tanh3A_58 {offsets = [0, 0], sizes = [16, 128], strides = [1, 1]} : vector<16x256xf32> to vector<16x128xf32>
      %swap3A_60 = arith.index_cast %scan3A_39 : i32 to index
      %swap3A_61 = arith.constant 0 : index
      %swap3A_62 = arith.constant 0 : index
      %swap3A_63 = vector.load %arg3[%swap3A_60, %swap3A_61, %swap3A_62] : memref<512x16x128xf32, #tpu.memory_space<vmem>>, vector<1x16x128xf32>
      %swap3A_64 = vector.shape_cast %swap3A_63 : vector<1x16x128xf32> to vector<16x128xf32>
      %swap3A_65 = vector.shape_cast %slice3A_59 : vector<16x128xf32> to vector<1x16x128xf32>
      tpu.vector_store %arg3[%swap3A_60, %swap3A_61, %swap3A_62], %swap3A_65 {strides = array<i32>} : memref<512x16x128xf32, #tpu.memory_space<vmem>>, vector<1x16x128xf32>,
      %slice3A_66 = vector.extract_strided_slice %tanh3A_58 {offsets = [0, 128], sizes = [16, 128], strides = [1, 1]} : vector<16x256xf32> to vector<16x128xf32>
      %sub3A_67 = arith.constant 511 : i32
      %sub3A_68 = arith.subi %sub3A_67, %scan3A_39 : i32
      %swap3A_69 = arith.index_cast %sub3A_68 : i32 to index
      %swap3A_70 = arith.constant 0 : index
      %swap3A_71 = arith.constant 0 : index
      %swap3A_72 = vector.load %arg4[%swap3A_69, %swap3A_70, %swap3A_71] : memref<512x16x128xf32, #tpu.memory_space<vmem>>, vector<1x16x128xf32>
      %swap3A_73 = vector.shape_cast %swap3A_72 : vector<1x16x128xf32> to vector<16x128xf32>
      %swap3A_74 = vector.shape_cast %slice3A_66 : vector<16x128xf32> to vector<1x16x128xf32>
      tpu.vector_store %arg4[%swap3A_69, %swap3A_70, %swap3A_71], %swap3A_74 {strides = array<i32>} : memref<512x16x128xf32, #tpu.memory_space<vmem>>, vector<1x16x128xf32>,
      %scan3A_75 = arith.constant 2 : i32
      %scan3A_76 = arith.addi %scan3A_8, %scan3A_75 : i32
      %get3A_77 = arith.index_cast %scan3A_76 : i32 to index
      %get3A_78 = arith.constant 0 : index
      %get3A_79 = arith.constant 0 : index
      %get3A_80 = vector.load %arg1[%get3A_77, %get3A_78, %get3A_79] : memref<512x16x256xf32, #tpu.memory_space<vmem>>, vector<1x16x256xf32>
      %get3A_81 = vector.shape_cast %get3A_80 : vector<1x16x256xf32> to vector<16x256xf32>
      %slice3A_82 = vector.extract_strided_slice %get3A_81 {offsets = [0, 0], sizes = [16, 128], strides = [1, 1]} : vector<16x256xf32> to vector<16x128xf32>
      %sub3A_83 = arith.constant 511 : i32
      %sub3A_84 = arith.subi %sub3A_83, %scan3A_76 : i32
      %get3A_85 = arith.index_cast %sub3A_84 : i32 to index
      %get3A_86 = arith.constant 0 : index
      %get3A_87 = arith.constant 0 : index
      %get3A_88 = vector.load %arg1[%get3A_85, %get3A_86, %get3A_87] : memref<512x16x256xf32, #tpu.memory_space<vmem>>, vector<1x16x256xf32>
      %get3A_89 = vector.shape_cast %get3A_88 : vector<1x16x256xf32> to vector<16x256xf32>
      %slice3A_90 = vector.extract_strided_slice %get3A_89 {offsets = [0, 128], sizes = [16, 128], strides = [1, 1]} : vector<16x256xf32> to vector<16x128xf32>
      %concatenate3A_91 = tpu.concatenate %slice3A_82, %slice3A_90 in 1 : vector<16x128xf32>, vector<16x128xf32> -> vector<16x256xf32>
      %dot_general3A_92 = arith.constant dense<0.000000e+00> : vector<16x256xf32>
      %dot_general3A_93 = tpu.matmul %tanh3A_58, %get3A_1, %dot_general3A_92 {dimension_numbers = #tpu.dot_dimension_numbers<[1], [0], [0], [1], [0, 0, 1, 1], [], []>, transpose_lhs_hint = false} : vector<16x256xf32>, vector<256x256xf32>, vector<16x256xf32> -> vector<16x256xf32>
      %add3A_94 = arith.addf %concatenate3A_91, %dot_general3A_93 : vector<16x256xf32>
      %tanh3A_95 = math.tanh %add3A_94 : vector<16x256xf32>
      %slice3A_96 = vector.extract_strided_slice %tanh3A_95 {offsets = [0, 0], sizes = [16, 128], strides = [1, 1]} : vector<16x256xf32> to vector<16x128xf32>
      %swap3A_97 = arith.index_cast %scan3A_76 : i32 to index
      %swap3A_98 = arith.constant 0 : index
      %swap3A_99 = arith.constant 0 : index
      %swap3A_100 = vector.load %arg3[%swap3A_97, %swap3A_98, %swap3A_99] : memref<512x16x128xf32, #tpu.memory_space<vmem>>, vector<1x16x128xf32>
      %swap3A_101 = vector.shape_cast %swap3A_100 : vector<1x16x128xf32> to vector<16x128xf32>
      %swap3A_102 = vector.shape_cast %slice3A_96 : vector<16x128xf32> to vector<1x16x128xf32>
      tpu.vector_store %arg3[%swap3A_97, %swap3A_98, %swap3A_99], %swap3A_102 {strides = array<i32>} : memref<512x16x128xf32, #tpu.memory_space<vmem>>, vector<1x16x128xf32>,
      %slice3A_103 = vector.extract_strided_slice %tanh3A_95 {offsets = [0, 128], sizes = [16, 128], strides = [1, 1]} : vector<16x256xf32> to vector<16x128xf32>
      %sub3A_104 = arith.constant 511 : i32
      %sub3A_105 = arith.subi %sub3A_104, %scan3A_76 : i32
      %swap3A_106 = arith.index_cast %sub3A_105 : i32 to index
      %swap3A_107 = arith.constant 0 : index
      %swap3A_108 = arith.constant 0 : index
      %swap3A_109 = vector.load %arg4[%swap3A_106, %swap3A_107, %swap3A_108] : memref<512x16x128xf32, #tpu.memory_space<vmem>>, vector<1x16x128xf32>
      %swap3A_110 = vector.shape_cast %swap3A_109 : vector<1x16x128xf32> to vector<16x128xf32>
      %swap3A_111 = vector.shape_cast %slice3A_103 : vector<16x128xf32> to vector<1x16x128xf32>
      tpu.vector_store %arg4[%swap3A_106, %swap3A_107, %swap3A_108], %swap3A_111 {strides = array<i32>} : memref<512x16x128xf32, #tpu.memory_space<vmem>>, vector<1x16x128xf32>,
      %scan3A_112 = arith.constant 3 : i32
      %scan3A_113 = arith.addi %scan3A_8, %scan3A_112 : i32
      %get3A_114 = arith.index_cast %scan3A_113 : i32 to index
      %get3A_115 = arith.constant 0 : index
      %get3A_116 = arith.constant 0 : index
      %get3A_117 = vector.load %arg1[%get3A_114, %get3A_115, %get3A_116] : memref<512x16x256xf32, #tpu.memory_space<vmem>>, vector<1x16x256xf32>
      %get3A_118 = vector.shape_cast %get3A_117 : vector<1x16x256xf32> to vector<16x256xf32>
      %slice3A_119 = vector.extract_strided_slice %get3A_118 {offsets = [0, 0], sizes = [16, 128], strides = [1, 1]} : vector<16x256xf32> to vector<16x128xf32>
      %sub3A_120 = arith.constant 511 : i32
      %sub3A_121 = arith.subi %sub3A_120, %scan3A_113 : i32
      %get3A_122 = arith.index_cast %sub3A_121 : i32 to index
      %get3A_123 = arith.constant 0 : index
      %get3A_124 = arith.constant 0 : index
      %get3A_125 = vector.load %arg1[%get3A_122, %get3A_123, %get3A_124] : memref<512x16x256xf32, #tpu.memory_space<vmem>>, vector<1x16x256xf32>
      %get3A_126 = vector.shape_cast %get3A_125 : vector<1x16x256xf32> to vector<16x256xf32>
      %slice3A_127 = vector.extract_strided_slice %get3A_126 {offsets = [0, 128], sizes = [16, 128], strides = [1, 1]} : vector<16x256xf32> to vector<16x128xf32>
      %concatenate3A_128 = tpu.concatenate %slice3A_119, %slice3A_127 in 1 : vector<16x128xf32>, vector<16x128xf32> -> vector<16x256xf32>
      %dot_general3A_129 = arith.constant dense<0.000000e+00> : vector<16x256xf32>
      %dot_general3A_130 = tpu.matmul %tanh3A_95, %get3A_1, %dot_general3A_129 {dimension_numbers = #tpu.dot_dimension_numbers<[1], [0], [0], [1], [0, 0, 1, 1], [], []>, transpose_lhs_hint = false} : vector<16x256xf32>, vector<256x256xf32>, vector<16x256xf32> -> vector<16x256xf32>
      %add3A_131 = arith.addf %concatenate3A_128, %dot_general3A_130 : vector<16x256xf32>
      %tanh3A_132 = math.tanh %add3A_131 : vector<16x256xf32>
      %slice3A_133 = vector.extract_strided_slice %tanh3A_132 {offsets = [0, 0], sizes = [16, 128], strides = [1, 1]} : vector<16x256xf32> to vector<16x128xf32>
      %swap3A_134 = arith.index_cast %scan3A_113 : i32 to index
      %swap3A_135 = arith.constant 0 : index
      %swap3A_136 = arith.constant 0 : index
      %swap3A_137 = vector.load %arg3[%swap3A_134, %swap3A_135, %swap3A_136] : memref<512x16x128xf32, #tpu.memory_space<vmem>>, vector<1x16x128xf32>
      %swap3A_138 = vector.shape_cast %swap3A_137 : vector<1x16x128xf32> to vector<16x128xf32>
      %swap3A_139 = vector.shape_cast %slice3A_133 : vector<16x128xf32> to vector<1x16x128xf32>
      tpu.vector_store %arg3[%swap3A_134, %swap3A_135, %swap3A_136], %swap3A_139 {strides = array<i32>} : memref<512x16x128xf32, #tpu.memory_space<vmem>>, vector<1x16x128xf32>,
      %slice3A_140 = vector.extract_strided_slice %tanh3A_132 {offsets = [0, 128], sizes = [16, 128], strides = [1, 1]} : vector<16x256xf32> to vector<16x128xf32>
      %sub3A_141 = arith.constant 511 : i32
      %sub3A_142 = arith.subi %sub3A_141, %scan3A_113 : i32
      %swap3A_143 = arith.index_cast %sub3A_142 : i32 to index
      %swap3A_144 = arith.constant 0 : index
      %swap3A_145 = arith.constant 0 : index
      %swap3A_146 = vector.load %arg4[%swap3A_143, %swap3A_144, %swap3A_145] : memref<512x16x128xf32, #tpu.memory_space<vmem>>, vector<1x16x128xf32>
      %swap3A_147 = vector.shape_cast %swap3A_146 : vector<1x16x128xf32> to vector<16x128xf32>
      %swap3A_148 = vector.shape_cast %slice3A_140 : vector<16x128xf32> to vector<1x16x128xf32>
      tpu.vector_store %arg4[%swap3A_143, %swap3A_144, %swap3A_145], %swap3A_148 {strides = array<i32>} : memref<512x16x128xf32, #tpu.memory_space<vmem>>, vector<1x16x128xf32>,
      %scan3A_149 = arith.constant 4 : i32
      %scan3A_150 = arith.addi %scan3A_8, %scan3A_149 : i32
      %get3A_151 = arith.index_cast %scan3A_150 : i32 to index
      %get3A_152 = arith.constant 0 : index
      %get3A_153 = arith.constant 0 : index
      %get3A_154 = vector.load %arg1[%get3A_151, %get3A_152, %get3A_153] : memref<512x16x256xf32, #tpu.memory_space<vmem>>, vector<1x16x256xf32>
      %get3A_155 = vector.shape_cast %get3A_154 : vector<1x16x256xf32> to vector<16x256xf32>
      %slice3A_156 = vector.extract_strided_slice %get3A_155 {offsets = [0, 0], sizes = [16, 128], strides = [1, 1]} : vector<16x256xf32> to vector<16x128xf32>
      %sub3A_157 = arith.constant 511 : i32
      %sub3A_158 = arith.subi %sub3A_157, %scan3A_150 : i32
      %get3A_159 = arith.index_cast %sub3A_158 : i32 to index
      %get3A_160 = arith.constant 0 : index
      %get3A_161 = arith.constant 0 : index
      %get3A_162 = vector.load %arg1[%get3A_159, %get3A_160, %get3A_161] : memref<512x16x256xf32, #tpu.memory_space<vmem>>, vector<1x16x256xf32>
      %get3A_163 = vector.shape_cast %get3A_162 : vector<1x16x256xf32> to vector<16x256xf32>
      %slice3A_164 = vector.extract_strided_slice %get3A_163 {offsets = [0, 128], sizes = [16, 128], strides = [1, 1]} : vector<16x256xf32> to vector<16x128xf32>
      %concatenate3A_165 = tpu.concatenate %slice3A_156, %slice3A_164 in 1 : vector<16x128xf32>, vector<16x128xf32> -> vector<16x256xf32>
      %dot_general3A_166 = arith.constant dense<0.000000e+00> : vector<16x256xf32>
      %dot_general3A_167 = tpu.matmul %tanh3A_132, %get3A_1, %dot_general3A_166 {dimension_numbers = #tpu.dot_dimension_numbers<[1], [0], [0], [1], [0, 0, 1, 1], [], []>, transpose_lhs_hint = false} : vector<16x256xf32>, vector<256x256xf32>, vector<16x256xf32> -> vector<16x256xf32>
      %add3A_168 = arith.addf %concatenate3A_165, %dot_general3A_167 : vector<16x256xf32>
      %tanh3A_169 = math.tanh %add3A_168 : vector<16x256xf32>
      %slice3A_170 = vector.extract_strided_slice %tanh3A_169 {offsets = [0, 0], sizes = [16, 128], strides = [1, 1]} : vector<16x256xf32> to vector<16x128xf32>
      %swap3A_171 = arith.index_cast %scan3A_150 : i32 to index
      %swap3A_172 = arith.constant 0 : index
      %swap3A_173 = arith.constant 0 : index
      %swap3A_174 = vector.load %arg3[%swap3A_171, %swap3A_172, %swap3A_173] : memref<512x16x128xf32, #tpu.memory_space<vmem>>, vector<1x16x128xf32>
      %swap3A_175 = vector.shape_cast %swap3A_174 : vector<1x16x128xf32> to vector<16x128xf32>
      %swap3A_176 = vector.shape_cast %slice3A_170 : vector<16x128xf32> to vector<1x16x128xf32>
      tpu.vector_store %arg3[%swap3A_171, %swap3A_172, %swap3A_173], %swap3A_176 {strides = array<i32>} : memref<512x16x128xf32, #tpu.memory_space<vmem>>, vector<1x16x128xf32>,
      %slice3A_177 = vector.extract_strided_slice %tanh3A_169 {offsets = [0, 128], sizes = [16, 128], strides = [1, 1]} : vector<16x256xf32> to vector<16x128xf32>
      %sub3A_178 = arith.constant 511 : i32
      %sub3A_179 = arith.subi %sub3A_178, %scan3A_150 : i32
      %swap3A_180 = arith.index_cast %sub3A_179 : i32 to index
      %swap3A_181 = arith.constant 0 : index
      %swap3A_182 = arith.constant 0 : index
      %swap3A_183 = vector.load %arg4[%swap3A_180, %swap3A_181, %swap3A_182] : memref<512x16x128xf32, #tpu.memory_space<vmem>>, vector<1x16x128xf32>
      %swap3A_184 = vector.shape_cast %swap3A_183 : vector<1x16x128xf32> to vector<16x128xf32>
      %swap3A_185 = vector.shape_cast %slice3A_177 : vector<16x128xf32> to vector<1x16x128xf32>
      tpu.vector_store %arg4[%swap3A_180, %swap3A_181, %swap3A_182], %swap3A_185 {strides = array<i32>} : memref<512x16x128xf32, #tpu.memory_space<vmem>>, vector<1x16x128xf32>,
      %scan3A_186 = arith.constant 5 : i32
      %scan3A_187 = arith.addi %scan3A_8, %scan3A_186 : i32
      %get3A_188 = arith.index_cast %scan3A_187 : i32 to index
      %get3A_189 = arith.constant 0 : index
      %get3A_190 = arith.constant 0 : index
      %get3A_191 = vector.load %arg1[%get3A_188, %get3A_189, %get3A_190] : memref<512x16x256xf32, #tpu.memory_space<vmem>>, vector<1x16x256xf32>
      %get3A_192 = vector.shape_cast %get3A_191 : vector<1x16x256xf32> to vector<16x256xf32>
      %slice3A_193 = vector.extract_strided_slice %get3A_192 {offsets = [0, 0], sizes = [16, 128], strides = [1, 1]} : vector<16x256xf32> to vector<16x128xf32>
      %sub3A_194 = arith.constant 511 : i32
      %sub3A_195 = arith.subi %sub3A_194, %scan3A_187 : i32
      %get3A_196 = arith.index_cast %sub3A_195 : i32 to index
      %get3A_197 = arith.constant 0 : index
      %get3A_198 = arith.constant 0 : index
      %get3A_199 = vector.load %arg1[%get3A_196, %get3A_197, %get3A_198] : memref<512x16x256xf32, #tpu.memory_space<vmem>>, vector<1x16x256xf32>
      %get3A_200 = vector.shape_cast %get3A_199 : vector<1x16x256xf32> to vector<16x256xf32>
      %slice3A_201 = vector.extract_strided_slice %get3A_200 {offsets = [0, 128], sizes = [16, 128], strides = [1, 1]} : vector<16x256xf32> to vector<16x128xf32>
      %concatenate3A_202 = tpu.concatenate %slice3A_193, %slice3A_201 in 1 : vector<16x128xf32>, vector<16x128xf32> -> vector<16x256xf32>
      %dot_general3A_203 = arith.constant dense<0.000000e+00> : vector<16x256xf32>
      %dot_general3A_204 = tpu.matmul %tanh3A_169, %get3A_1, %dot_general3A_203 {dimension_numbers = #tpu.dot_dimension_numbers<[1], [0], [0], [1], [0, 0, 1, 1], [], []>, transpose_lhs_hint = false} : vector<16x256xf32>, vector<256x256xf32>, vector<16x256xf32> -> vector<16x256xf32>
      %add3A_205 = arith.addf %concatenate3A_202, %dot_general3A_204 : vector<16x256xf32>
      %tanh3A_206 = math.tanh %add3A_205 : vector<16x256xf32>
      %slice3A_207 = vector.extract_strided_slice %tanh3A_206 {offsets = [0, 0], sizes = [16, 128], strides = [1, 1]} : vector<16x256xf32> to vector<16x128xf32>
      %swap3A_208 = arith.index_cast %scan3A_187 : i32 to index
      %swap3A_209 = arith.constant 0 : index
      %swap3A_210 = arith.constant 0 : index
      %swap3A_211 = vector.load %arg3[%swap3A_208, %swap3A_209, %swap3A_210] : memref<512x16x128xf32, #tpu.memory_space<vmem>>, vector<1x16x128xf32>
      %swap3A_212 = vector.shape_cast %swap3A_211 : vector<1x16x128xf32> to vector<16x128xf32>
      %swap3A_213 = vector.shape_cast %slice3A_207 : vector<16x128xf32> to vector<1x16x128xf32>
      tpu.vector_store %arg3[%swap3A_208, %swap3A_209, %swap3A_210], %swap3A_213 {strides = array<i32>} : memref<512x16x128xf32, #tpu.memory_space<vmem>>, vector<1x16x128xf32>,
      %slice3A_214 = vector.extract_strided_slice %tanh3A_206 {offsets = [0, 128], sizes = [16, 128], strides = [1, 1]} : vector<16x256xf32> to vector<16x128xf32>
      %sub3A_215 = arith.constant 511 : i32
      %sub3A_216 = arith.subi %sub3A_215, %scan3A_187 : i32
      %swap3A_217 = arith.index_cast %sub3A_216 : i32 to index
      %swap3A_218 = arith.constant 0 : index
      %swap3A_219 = arith.constant 0 : index
      %swap3A_220 = vector.load %arg4[%swap3A_217, %swap3A_218, %swap3A_219] : memref<512x16x128xf32, #tpu.memory_space<vmem>>, vector<1x16x128xf32>
      %swap3A_221 = vector.shape_cast %swap3A_220 : vector<1x16x128xf32> to vector<16x128xf32>
      %swap3A_222 = vector.shape_cast %slice3A_214 : vector<16x128xf32> to vector<1x16x128xf32>
      tpu.vector_store %arg4[%swap3A_217, %swap3A_218, %swap3A_219], %swap3A_222 {strides = array<i32>} : memref<512x16x128xf32, #tpu.memory_space<vmem>>, vector<1x16x128xf32>,
      %scan3A_223 = arith.constant 6 : i32
      %scan3A_224 = arith.addi %scan3A_8, %scan3A_223 : i32
      %get3A_225 = arith.index_cast %scan3A_224 : i32 to index
      %get3A_226 = arith.constant 0 : index
      %get3A_227 = arith.constant 0 : index
      %get3A_228 = vector.load %arg1[%get3A_225, %get3A_226, %get3A_227] : memref<512x16x256xf32, #tpu.memory_space<vmem>>, vector<1x16x256xf32>
      %get3A_229 = vector.shape_cast %get3A_228 : vector<1x16x256xf32> to vector<16x256xf32>
      %slice3A_230 = vector.extract_strided_slice %get3A_229 {offsets = [0, 0], sizes = [16, 128], strides = [1, 1]} : vector<16x256xf32> to vector<16x128xf32>
      %sub3A_231 = arith.constant 511 : i32
      %sub3A_232 = arith.subi %sub3A_231, %scan3A_224 : i32
      %get3A_233 = arith.index_cast %sub3A_232 : i32 to index
      %get3A_234 = arith.constant 0 : index
      %get3A_235 = arith.constant 0 : index
      %get3A_236 = vector.load %arg1[%get3A_233, %get3A_234, %get3A_235] : memref<512x16x256xf32, #tpu.memory_space<vmem>>, vector<1x16x256xf32>
      %get3A_237 = vector.shape_cast %get3A_236 : vector<1x16x256xf32> to vector<16x256xf32>
      %slice3A_238 = vector.extract_strided_slice %get3A_237 {offsets = [0, 128], sizes = [16, 128], strides = [1, 1]} : vector<16x256xf32> to vector<16x128xf32>
      %concatenate3A_239 = tpu.concatenate %slice3A_230, %slice3A_238 in 1 : vector<16x128xf32>, vector<16x128xf32> -> vector<16x256xf32>
      %dot_general3A_240 = arith.constant dense<0.000000e+00> : vector<16x256xf32>
      %dot_general3A_241 = tpu.matmul %tanh3A_206, %get3A_1, %dot_general3A_240 {dimension_numbers = #tpu.dot_dimension_numbers<[1], [0], [0], [1], [0, 0, 1, 1], [], []>, transpose_lhs_hint = false} : vector<16x256xf32>, vector<256x256xf32>, vector<16x256xf32> -> vector<16x256xf32>
      %add3A_242 = arith.addf %concatenate3A_239, %dot_general3A_241 : vector<16x256xf32>
      %tanh3A_243 = math.tanh %add3A_242 : vector<16x256xf32>
      %slice3A_244 = vector.extract_strided_slice %tanh3A_243 {offsets = [0, 0], sizes = [16, 128], strides = [1, 1]} : vector<16x256xf32> to vector<16x128xf32>
      %swap3A_245 = arith.index_cast %scan3A_224 : i32 to index
      %swap3A_246 = arith.constant 0 : index
      %swap3A_247 = arith.constant 0 : index
      %swap3A_248 = vector.load %arg3[%swap3A_245, %swap3A_246, %swap3A_247] : memref<512x16x128xf32, #tpu.memory_space<vmem>>, vector<1x16x128xf32>
      %swap3A_249 = vector.shape_cast %swap3A_248 : vector<1x16x128xf32> to vector<16x128xf32>
      %swap3A_250 = vector.shape_cast %slice3A_244 : vector<16x128xf32> to vector<1x16x128xf32>
      tpu.vector_store %arg3[%swap3A_245, %swap3A_246, %swap3A_247], %swap3A_250 {strides = array<i32>} : memref<512x16x128xf32, #tpu.memory_space<vmem>>, vector<1x16x128xf32>,
      %slice3A_251 = vector.extract_strided_slice %tanh3A_243 {offsets = [0, 128], sizes = [16, 128], strides = [1, 1]} : vector<16x256xf32> to vector<16x128xf32>
      %sub3A_252 = arith.constant 511 : i32
      %sub3A_253 = arith.subi %sub3A_252, %scan3A_224 : i32
      %swap3A_254 = arith.index_cast %sub3A_253 : i32 to index
      %swap3A_255 = arith.constant 0 : index
      %swap3A_256 = arith.constant 0 : index
      %swap3A_257 = vector.load %arg4[%swap3A_254, %swap3A_255, %swap3A_256] : memref<512x16x128xf32, #tpu.memory_space<vmem>>, vector<1x16x128xf32>
      %swap3A_258 = vector.shape_cast %swap3A_257 : vector<1x16x128xf32> to vector<16x128xf32>
      %swap3A_259 = vector.shape_cast %slice3A_251 : vector<16x128xf32> to vector<1x16x128xf32>
      tpu.vector_store %arg4[%swap3A_254, %swap3A_255, %swap3A_256], %swap3A_259 {strides = array<i32>} : memref<512x16x128xf32, #tpu.memory_space<vmem>>, vector<1x16x128xf32>,
      %scan3A_260 = arith.constant 7 : i32
      %scan3A_261 = arith.addi %scan3A_8, %scan3A_260 : i32
      %get3A_262 = arith.index_cast %scan3A_261 : i32 to index
      %get3A_263 = arith.constant 0 : index
      %get3A_264 = arith.constant 0 : index
      %get3A_265 = vector.load %arg1[%get3A_262, %get3A_263, %get3A_264] : memref<512x16x256xf32, #tpu.memory_space<vmem>>, vector<1x16x256xf32>
      %get3A_266 = vector.shape_cast %get3A_265 : vector<1x16x256xf32> to vector<16x256xf32>
      %slice3A_267 = vector.extract_strided_slice %get3A_266 {offsets = [0, 0], sizes = [16, 128], strides = [1, 1]} : vector<16x256xf32> to vector<16x128xf32>
      %sub3A_268 = arith.constant 511 : i32
      %sub3A_269 = arith.subi %sub3A_268, %scan3A_261 : i32
      %get3A_270 = arith.index_cast %sub3A_269 : i32 to index
      %get3A_271 = arith.constant 0 : index
      %get3A_272 = arith.constant 0 : index
      %get3A_273 = vector.load %arg1[%get3A_270, %get3A_271, %get3A_272] : memref<512x16x256xf32, #tpu.memory_space<vmem>>, vector<1x16x256xf32>
      %get3A_274 = vector.shape_cast %get3A_273 : vector<1x16x256xf32> to vector<16x256xf32>
      %slice3A_275 = vector.extract_strided_slice %get3A_274 {offsets = [0, 128], sizes = [16, 128], strides = [1, 1]} : vector<16x256xf32> to vector<16x128xf32>
      %concatenate3A_276 = tpu.concatenate %slice3A_267, %slice3A_275 in 1 : vector<16x128xf32>, vector<16x128xf32> -> vector<16x256xf32>
      %dot_general3A_277 = arith.constant dense<0.000000e+00> : vector<16x256xf32>
      %dot_general3A_278 = tpu.matmul %tanh3A_243, %get3A_1, %dot_general3A_277 {dimension_numbers = #tpu.dot_dimension_numbers<[1], [0], [0], [1], [0, 0, 1, 1], [], []>, transpose_lhs_hint = false} : vector<16x256xf32>, vector<256x256xf32>, vector<16x256xf32> -> vector<16x256xf32>
      %add3A_279 = arith.addf %concatenate3A_276, %dot_general3A_278 : vector<16x256xf32>
      %tanh3A_280 = math.tanh %add3A_279 : vector<16x256xf32>
      %slice3A_281 = vector.extract_strided_slice %tanh3A_280 {offsets = [0, 0], sizes = [16, 128], strides = [1, 1]} : vector<16x256xf32> to vector<16x128xf32>
      %swap3A_282 = arith.index_cast %scan3A_261 : i32 to index
      %swap3A_283 = arith.constant 0 : index
      %swap3A_284 = arith.constant 0 : index
      %swap3A_285 = vector.load %arg3[%swap3A_282, %swap3A_283, %swap3A_284] : memref<512x16x128xf32, #tpu.memory_space<vmem>>, vector<1x16x128xf32>
      %swap3A_286 = vector.shape_cast %swap3A_285 : vector<1x16x128xf32> to vector<16x128xf32>
      %swap3A_287 = vector.shape_cast %slice3A_281 : vector<16x128xf32> to vector<1x16x128xf32>
      tpu.vector_store %arg3[%swap3A_282, %swap3A_283, %swap3A_284], %swap3A_287 {strides = array<i32>} : memref<512x16x128xf32, #tpu.memory_space<vmem>>, vector<1x16x128xf32>,
      %slice3A_288 = vector.extract_strided_slice %tanh3A_280 {offsets = [0, 128], sizes = [16, 128], strides = [1, 1]} : vector<16x256xf32> to vector<16x128xf32>
      %sub3A_289 = arith.constant 511 : i32
      %sub3A_290 = arith.subi %sub3A_289, %scan3A_261 : i32
      %swap3A_291 = arith.index_cast %sub3A_290 : i32 to index
      %swap3A_292 = arith.constant 0 : index
      %swap3A_293 = arith.constant 0 : index
      %swap3A_294 = vector.load %arg4[%swap3A_291, %swap3A_292, %swap3A_293] : memref<512x16x128xf32, #tpu.memory_space<vmem>>, vector<1x16x128xf32>
      %swap3A_295 = vector.shape_cast %swap3A_294 : vector<1x16x128xf32> to vector<16x128xf32>
      %swap3A_296 = vector.shape_cast %slice3A_288 : vector<16x128xf32> to vector<1x16x128xf32>
      tpu.vector_store %arg4[%swap3A_291, %swap3A_292, %swap3A_293], %swap3A_296 {strides = array<i32>} : memref<512x16x128xf32, #tpu.memory_space<vmem>>, vector<1x16x128xf32>,
      scf.yield %tanh3A_280 : vector<16x256xf32>
    }
    %scan3A_7 = arith.constant 512 : i32
    return
  }
  func.func @transform_0(%arg0: i32) -> (i32, i32, i32) {
    %c0_i32 = arith.constant 0 : i32
    %c0_i32_0 = arith.constant 0 : i32
    %c0_i32_1 = arith.constant 0 : i32
    %c0_i32_2 = arith.constant 0 : i32
    return %c0_i32, %c0_i32_0, %c0_i32_1 : i32, i32, i32
  }
  func.func @transform_1(%arg0: i32) -> (i32, i32) {
    %c0_i32 = arith.constant 0 : i32
    %c0_i32_0 = arith.constant 0 : i32
    %c0_i32_1 = arith.constant 0 : i32
    return %c0_i32, %c0_i32_0 : i32, i32
  }
  func.func @transform_2(%arg0: i32) -> (i32, i32, i32) {
    %c0_i32 = arith.constant 0 : i32
    %c0_i32_0 = arith.constant 0 : i32
    %c0_i32_1 = arith.constant 0 : i32
    %c0_i32_2 = arith.constant 0 : i32
    return %c0_i32, %c0_i32_0, %c0_i32_1 : i32, i32, i32
  }
  func.func @transform_3(%arg0: i32) -> (i32, i32, i32) {
    %c0_i32 = arith.constant 0 : i32
    %c0_i32_0 = arith.constant 0 : i32
    %c0_i32_1 = arith.constant 0 : i32
    %c0_i32_2 = arith.constant 0 : i32
    return %c0_i32, %c0_i32_0, %c0_i32_1 : i32, i32, i32
  }
}

module attributes {stable_mosaic.version = 14 : i64} {
  func.func @_graph_body(%arg0: i32, %arg1: memref<512x16x128xf32, #tpu.memory_space<vmem>>, %arg2: memref<512x16x128xf32, #tpu.memory_space<vmem>>, %arg3: memref<1x80x512xf32, #tpu.memory_space<vmem>>, %arg4: memref<1x120x512xf32, #tpu.memory_space<vmem>>, %arg5: memref<1x120x512xf32, #tpu.memory_space<vmem>>, %arg6: memref<1x1x120xi32, #tpu.memory_space<vmem>>, %arg7: memref<1x1x120xi32, #tpu.memory_space<vmem>>, %arg8: memref<128x128xf32, #tpu.memory_space<vmem>>, %arg9: memref<128x128xf32, #tpu.memory_space<vmem>>, %arg10: memref<1x128xf32, #tpu.memory_space<vmem>>, %arg11: memref<128x64xf32, #tpu.memory_space<vmem>>, %arg12: memref<128x64xf32, #tpu.memory_space<vmem>>, %arg13: memref<128x128xf32, #tpu.memory_space<vmem>>, %arg14: memref<1x128xf32, #tpu.memory_space<vmem>>, %arg15: memref<128x128xf32, #tpu.memory_space<vmem>>, %arg16: memref<1x128xf32, #tpu.memory_space<vmem>>, %arg17: memref<128x64xf32, #tpu.memory_space<vmem>>, %arg18: memref<128x64xf32, #tpu.memory_space<vmem>>, %arg19: memref<128x128xf32, #tpu.memory_space<vmem>>, %arg20: memref<1x128xf32, #tpu.memory_space<vmem>>, %arg21: memref<128x128xf32, #tpu.memory_space<vmem>>, %arg22: memref<1x128xf32, #tpu.memory_space<vmem>>, %arg23: memref<20x20xf32, #tpu.memory_space<vmem>>, %arg24: memref<1x120x148xf32, #tpu.memory_space<vmem>>, %arg25: memref<1x120x148xf32, #tpu.memory_space<vmem>>) attributes {dimension_semantics = [#tpu.dimension_semantics<arbitrary>], iteration_bounds = array<i64: 16>, scalar_prefetch = 0 : i64, scratch_operands = 0 : i64, tpu.core_type = #tpu.core_type<tc>, window_params = [{pipeline_mode = #tpu.pipeline_mode<synchronous>, transform_indices = @transform_0, window_bounds = array<i64: 512, 16, 128>}, {pipeline_mode = #tpu.pipeline_mode<synchronous>, transform_indices = @transform_1, window_bounds = array<i64: 512, 16, 128>}, {transform_indices = @transform_2, window_bounds = array<i64: 1, 80, 512>}, {transform_indices = @transform_3, window_bounds = array<i64: 1, 120, 512>}, {transform_indices = @transform_4, window_bounds = array<i64: 1, 120, 512>}, {transform_indices = @transform_5, window_bounds = array<i64: 1, 1, 120>}, {transform_indices = @transform_6, window_bounds = array<i64: 1, 1, 120>}, {pipeline_mode = #tpu.pipeline_mode<synchronous>, transform_indices = @transform_7, window_bounds = array<i64: 128, 128>}, {pipeline_mode = #tpu.pipeline_mode<synchronous>, transform_indices = @transform_8, window_bounds = array<i64: 128, 128>}, {pipeline_mode = #tpu.pipeline_mode<synchronous>, transform_indices = @transform_9, window_bounds = array<i64: 1, 128>}, {pipeline_mode = #tpu.pipeline_mode<synchronous>, transform_indices = @transform_10, window_bounds = array<i64: 128, 64>}, {pipeline_mode = #tpu.pipeline_mode<synchronous>, transform_indices = @transform_11, window_bounds = array<i64: 128, 64>}, {pipeline_mode = #tpu.pipeline_mode<synchronous>, transform_indices = @transform_12, window_bounds = array<i64: 128, 128>}, {pipeline_mode = #tpu.pipeline_mode<synchronous>, transform_indices = @transform_13, window_bounds = array<i64: 1, 128>}, {pipeline_mode = #tpu.pipeline_mode<synchronous>, transform_indices = @transform_14, window_bounds = array<i64: 128, 128>}, {pipeline_mode = #tpu.pipeline_mode<synchronous>, transform_indices = @transform_15, window_bounds = array<i64: 1, 128>}, {pipeline_mode = #tpu.pipeline_mode<synchronous>, transform_indices = @transform_16, window_bounds = array<i64: 128, 64>}, {pipeline_mode = #tpu.pipeline_mode<synchronous>, transform_indices = @transform_17, window_bounds = array<i64: 128, 64>}, {pipeline_mode = #tpu.pipeline_mode<synchronous>, transform_indices = @transform_18, window_bounds = array<i64: 128, 128>}, {pipeline_mode = #tpu.pipeline_mode<synchronous>, transform_indices = @transform_19, window_bounds = array<i64: 1, 128>}, {pipeline_mode = #tpu.pipeline_mode<synchronous>, transform_indices = @transform_20, window_bounds = array<i64: 128, 128>}, {pipeline_mode = #tpu.pipeline_mode<synchronous>, transform_indices = @transform_21, window_bounds = array<i64: 1, 128>}, {pipeline_mode = #tpu.pipeline_mode<synchronous>, transform_indices = @transform_22, window_bounds = array<i64: 20, 20>}, {transform_indices = @transform_23, window_bounds = array<i64: 1, 120, 148>}, {transform_indices = @transform_24, window_bounds = array<i64: 1, 120, 148>}]} {
    %get3A = arith.constant 0 : index
    %get3A_0 = arith.index_cast %arg0 : i32 to index
    %get3A_1 = arith.constant 0 : index
    %get3A_2 = vector.load %arg1[%get3A, %get3A_0, %get3A_1] : memref<512x16x128xf32, #tpu.memory_space<vmem>>, vector<512x1x128xf32>
    %get3A_3 = vector.shape_cast %get3A_2 : vector<512x1x128xf32> to vector<512x128xf32>
    %get3A_4 = arith.constant 0 : index
    %get3A_5 = arith.constant 0 : index
    %get3A_6 = vector.load %arg8[%get3A_4, %get3A_5] : memref<128x128xf32, #tpu.memory_space<vmem>>, vector<128x128xf32>
    %dot_general3A = arith.constant dense<0.000000e+00> : vector<512x128xf32>
    %dot_general3A_7 = tpu.matmul %get3A_3, %get3A_6, %dot_general3A {dimension_numbers = #tpu.dot_dimension_numbers<[1], [0], [0], [1], [0, 0, 1, 1], [], []>, transpose_lhs_hint = false} : vector<512x128xf32>, vector<128x128xf32>, vector<512x128xf32> -> vector<512x128xf32>
    %get3A_8 = arith.constant 0 : index
    %get3A_9 = arith.index_cast %arg0 : i32 to index
    %get3A_10 = arith.constant 0 : index
    %get3A_11 = vector.load %arg2[%get3A_8, %get3A_9, %get3A_10] : memref<512x16x128xf32, #tpu.memory_space<vmem>>, vector<512x1x128xf32>
    %get3A_12 = vector.shape_cast %get3A_11 : vector<512x1x128xf32> to vector<512x128xf32>
    %get3A_13 = arith.constant 0 : index
    %get3A_14 = arith.constant 0 : index
    %get3A_15 = vector.load %arg9[%get3A_13, %get3A_14] : memref<128x128xf32, #tpu.memory_space<vmem>>, vector<128x128xf32>
    %dot_general3A_16 = arith.constant dense<0.000000e+00> : vector<512x128xf32>
    %dot_general3A_17 = tpu.matmul %get3A_12, %get3A_15, %dot_general3A_16 {dimension_numbers = #tpu.dot_dimension_numbers<[1], [0], [0], [1], [0, 0, 1, 1], [], []>, transpose_lhs_hint = false} : vector<512x128xf32>, vector<128x128xf32>, vector<512x128xf32> -> vector<512x128xf32>
    %add3A = arith.addf %dot_general3A_7, %dot_general3A_17 : vector<512x128xf32>
    %get3A_18 = arith.constant 0 : index
    %get3A_19 = arith.constant 0 : index
    %get3A_20 = vector.load %arg10[%get3A_18, %get3A_19] : memref<1x128xf32, #tpu.memory_space<vmem>>, vector<1x128xf32>
    %add3A_21 = vector.broadcast %get3A_20 : vector<1x128xf32> to vector<512x128xf32>
    %add3A_22 = arith.addf %add3A, %add3A_21 : vector<512x128xf32>
    %max3A = arith.constant 0.000000e+00 : f32
    %max3A_23 = vector.broadcast %max3A : f32 to vector<512x128xf32>
    %max3A_24 = arith.maximumf %add3A_22, %max3A_23 : vector<512x128xf32>
    %get3A_25 = arith.constant 0 : index
    %get3A_26 = arith.constant 0 : index
    %get3A_27 = arith.constant 0 : index
    %get3A_28 = vector.load %arg3[%get3A_25, %get3A_26, %get3A_27] : memref<1x80x512xf32, #tpu.memory_space<vmem>>, vector<1x80x512xf32>
    %get3A_29 = vector.shape_cast %get3A_28 : vector<1x80x512xf32> to vector<80x512xf32>
    %dot_general3A_30 = arith.constant dense<0.000000e+00> : vector<80x128xf32>
    %dot_general3A_31 = tpu.matmul %get3A_29, %max3A_24, %dot_general3A_30 {dimension_numbers = #tpu.dot_dimension_numbers<[1], [0], [0], [1], [0, 0, 1, 1], [], []>, transpose_lhs_hint = false} : vector<80x512xf32>, vector<512x128xf32>, vector<80x128xf32> -> vector<80x128xf32>
    %get3A_32 = arith.constant 0 : index
    %get3A_33 = arith.constant 0 : index
    %get3A_34 = vector.load %arg11[%get3A_32, %get3A_33] : memref<128x64xf32, #tpu.memory_space<vmem>>, vector<128x64xf32>
    %dot_general3A_35 = arith.constant dense<0.000000e+00> : vector<80x64xf32>
    %dot_general3A_36 = tpu.matmul %dot_general3A_31, %get3A_34, %dot_general3A_35 {dimension_numbers = #tpu.dot_dimension_numbers<[1], [0], [0], [1], [0, 0, 1, 1], [], []>, transpose_lhs_hint = false} : vector<80x128xf32>, vector<128x64xf32>, vector<80x64xf32> -> vector<80x64xf32>
    %get3A_37 = arith.constant 0 : index
    %get3A_38 = arith.constant 0 : index
    %get3A_39 = vector.load %arg12[%get3A_37, %get3A_38] : memref<128x64xf32, #tpu.memory_space<vmem>>, vector<128x64xf32>
    %dot_general3A_40 = arith.constant dense<0.000000e+00> : vector<80x64xf32>
    %dot_general3A_41 = tpu.matmul %dot_general3A_31, %get3A_39, %dot_general3A_40 {dimension_numbers = #tpu.dot_dimension_numbers<[1], [0], [0], [1], [0, 0, 1, 1], [], []>, transpose_lhs_hint = false} : vector<80x128xf32>, vector<128x64xf32>, vector<80x64xf32> -> vector<80x64xf32>
    %dot_general3A_42 = arith.constant dense<0.000000e+00> : vector<80x80xf32>
    %dot_general3A_43 = tpu.matmul %dot_general3A_36, %dot_general3A_41, %dot_general3A_42 {dimension_numbers = #tpu.dot_dimension_numbers<[1], [1], [0], [0], [0, 0, 1, 0], [], []>, transpose_lhs_hint = false} : vector<80x64xf32>, vector<80x64xf32>, vector<80x80xf32> -> vector<80x80xf32>
    %mul3A = arith.constant 1.250000e-01 : f32
    %mul3A_44 = vector.broadcast %mul3A : f32 to vector<80x80xf32>
    %mul3A_45 = arith.mulf %dot_general3A_43, %mul3A_44 : vector<80x80xf32>
    %reduce_max3A = arith.constant dense<0xFF800000> : vector<80xf32>
    %reduce_max3A_46 = vector.multi_reduction <maximumf>, %mul3A_45, %reduce_max3A [1] : vector<80x80xf32> to vector<80xf32>
    %broadcast_in_dim3A = vector.shape_cast %reduce_max3A_46 : vector<80xf32> to vector<80x1xf32>
    %sub3A = vector.broadcast %broadcast_in_dim3A : vector<80x1xf32> to vector<80x80xf32>
    %sub3A_47 = arith.subf %mul3A_45, %sub3A : vector<80x80xf32>
    %exp3A = math.exp %sub3A_47 : vector<80x80xf32>
    %reduce_sum3A = arith.constant dense<0.000000e+00> : vector<80xf32>
    %reduce_sum3A_48 = vector.multi_reduction <add>, %exp3A, %reduce_sum3A [1] : vector<80x80xf32> to vector<80xf32>
    %broadcast_in_dim3A_49 = vector.shape_cast %reduce_sum3A_48 : vector<80xf32> to vector<80x1xf32>
    %div3A = vector.broadcast %broadcast_in_dim3A_49 : vector<80x1xf32> to vector<80x80xf32>
    %div3A_50 = arith.divf %exp3A, %div3A : vector<80x80xf32>
    %get3A_51 = arith.constant 0 : index
    %get3A_52 = arith.constant 0 : index
    %get3A_53 = vector.load %arg13[%get3A_51, %get3A_52] : memref<128x128xf32, #tpu.memory_space<vmem>>, vector<128x128xf32>
    %dot_general3A_54 = arith.constant dense<0.000000e+00> : vector<80x128xf32>
    %dot_general3A_55 = tpu.matmul %dot_general3A_31, %get3A_53, %dot_general3A_54 {dimension_numbers = #tpu.dot_dimension_numbers<[1], [0], [0], [1], [0, 0, 1, 1], [], []>, transpose_lhs_hint = false} : vector<80x128xf32>, vector<128x128xf32>, vector<80x128xf32> -> vector<80x128xf32>
    %dot_general3A_56 = arith.constant dense<0.000000e+00> : vector<80x128xf32>
    %dot_general3A_57 = tpu.matmul %div3A_50, %dot_general3A_55, %dot_general3A_56 {dimension_numbers = #tpu.dot_dimension_numbers<[1], [0], [0], [1], [0, 0, 1, 1], [], []>, transpose_lhs_hint = false} : vector<80x80xf32>, vector<80x128xf32>, vector<80x128xf32> -> vector<80x128xf32>
    %get3A_58 = arith.constant 0 : index
    %get3A_59 = arith.constant 0 : index
    %get3A_60 = vector.load %arg14[%get3A_58, %get3A_59] : memref<1x128xf32, #tpu.memory_space<vmem>>, vector<1x128xf32>
    %add3A_61 = vector.broadcast %get3A_60 : vector<1x128xf32> to vector<80x128xf32>
    %add3A_62 = arith.addf %dot_general3A_57, %add3A_61 : vector<80x128xf32>
    %max3A_63 = arith.constant 0.000000e+00 : f32
    %max3A_64 = vector.broadcast %max3A_63 : f32 to vector<80x128xf32>
    %max3A_65 = arith.maximumf %add3A_62, %max3A_64 : vector<80x128xf32>
    %get3A_66 = arith.constant 0 : index
    %get3A_67 = arith.constant 0 : index
    %get3A_68 = vector.load %arg15[%get3A_66, %get3A_67] : memref<128x128xf32, #tpu.memory_space<vmem>>, vector<128x128xf32>
    %dot_general3A_69 = arith.constant dense<0.000000e+00> : vector<80x128xf32>
    %dot_general3A_70 = tpu.matmul %max3A_65, %get3A_68, %dot_general3A_69 {dimension_numbers = #tpu.dot_dimension_numbers<[1], [0], [0], [1], [0, 0, 1, 1], [], []>, transpose_lhs_hint = false} : vector<80x128xf32>, vector<128x128xf32>, vector<80x128xf32> -> vector<80x128xf32>
    %dot_general3A_71 = arith.constant dense<0.000000e+00> : vector<80x128xf32>
    %dot_general3A_72 = tpu.matmul %div3A_50, %dot_general3A_70, %dot_general3A_71 {dimension_numbers = #tpu.dot_dimension_numbers<[1], [0], [0], [1], [0, 0, 1, 1], [], []>, transpose_lhs_hint = false} : vector<80x80xf32>, vector<80x128xf32>, vector<80x128xf32> -> vector<80x128xf32>
    %get3A_73 = arith.constant 0 : index
    %get3A_74 = arith.constant 0 : index
    %get3A_75 = vector.load %arg16[%get3A_73, %get3A_74] : memref<1x128xf32, #tpu.memory_space<vmem>>, vector<1x128xf32>
    %add3A_76 = vector.broadcast %get3A_75 : vector<1x128xf32> to vector<80x128xf32>
    %add3A_77 = arith.addf %dot_general3A_72, %add3A_76 : vector<80x128xf32>
    %max3A_78 = arith.constant 0.000000e+00 : f32
    %max3A_79 = vector.broadcast %max3A_78 : f32 to vector<80x128xf32>
    %max3A_80 = arith.maximumf %add3A_77, %max3A_79 : vector<80x128xf32>
    %get3A_81 = arith.constant 0 : index
    %get3A_82 = arith.constant 0 : index
    %get3A_83 = vector.load %arg17[%get3A_81, %get3A_82] : memref<128x64xf32, #tpu.memory_space<vmem>>, vector<128x64xf32>
    %dot_general3A_84 = arith.constant dense<0.000000e+00> : vector<80x64xf32>
    %dot_general3A_85 = tpu.matmul %max3A_80, %get3A_83, %dot_general3A_84 {dimension_numbers = #tpu.dot_dimension_numbers<[1], [0], [0], [1], [0, 0, 1, 1], [], []>, transpose_lhs_hint = false} : vector<80x128xf32>, vector<128x64xf32>, vector<80x64xf32> -> vector<80x64xf32>
    %get3A_86 = arith.constant 0 : index
    %get3A_87 = arith.constant 0 : index
    %get3A_88 = vector.load %arg18[%get3A_86, %get3A_87] : memref<128x64xf32, #tpu.memory_space<vmem>>, vector<128x64xf32>
    %dot_general3A_89 = arith.constant dense<0.000000e+00> : vector<80x64xf32>
    %dot_general3A_90 = tpu.matmul %max3A_80, %get3A_88, %dot_general3A_89 {dimension_numbers = #tpu.dot_dimension_numbers<[1], [0], [0], [1], [0, 0, 1, 1], [], []>, transpose_lhs_hint = false} : vector<80x128xf32>, vector<128x64xf32>, vector<80x64xf32> -> vector<80x64xf32>
    %dot_general3A_91 = arith.constant dense<0.000000e+00> : vector<80x80xf32>
    %dot_general3A_92 = tpu.matmul %dot_general3A_85, %dot_general3A_90, %dot_general3A_91 {dimension_numbers = #tpu.dot_dimension_numbers<[1], [1], [0], [0], [0, 0, 1, 0], [], []>, transpose_lhs_hint = false} : vector<80x64xf32>, vector<80x64xf32>, vector<80x80xf32> -> vector<80x80xf32>
    %mul3A_93 = arith.constant 1.250000e-01 : f32
    %mul3A_94 = vector.broadcast %mul3A_93 : f32 to vector<80x80xf32>
    %mul3A_95 = arith.mulf %dot_general3A_92, %mul3A_94 : vector<80x80xf32>
    %reduce_max3A_96 = arith.constant dense<0xFF800000> : vector<80xf32>
    %reduce_max3A_97 = vector.multi_reduction <maximumf>, %mul3A_95, %reduce_max3A_96 [1] : vector<80x80xf32> to vector<80xf32>
    %broadcast_in_dim3A_98 = vector.shape_cast %reduce_max3A_97 : vector<80xf32> to vector<80x1xf32>
    %sub3A_99 = vector.broadcast %broadcast_in_dim3A_98 : vector<80x1xf32> to vector<80x80xf32>
    %sub3A_100 = arith.subf %mul3A_95, %sub3A_99 : vector<80x80xf32>
    %exp3A_101 = math.exp %sub3A_100 : vector<80x80xf32>
    %reduce_sum3A_102 = arith.constant dense<0.000000e+00> : vector<80xf32>
    %reduce_sum3A_103 = vector.multi_reduction <add>, %exp3A_101, %reduce_sum3A_102 [1] : vector<80x80xf32> to vector<80xf32>
    %broadcast_in_dim3A_104 = vector.shape_cast %reduce_sum3A_103 : vector<80xf32> to vector<80x1xf32>
    %div3A_105 = vector.broadcast %broadcast_in_dim3A_104 : vector<80x1xf32> to vector<80x80xf32>
    %div3A_106 = arith.divf %exp3A_101, %div3A_105 : vector<80x80xf32>
    %get3A_107 = arith.constant 0 : index
    %get3A_108 = arith.constant 0 : index
    %get3A_109 = vector.load %arg19[%get3A_107, %get3A_108] : memref<128x128xf32, #tpu.memory_space<vmem>>, vector<128x128xf32>
    %dot_general3A_110 = arith.constant dense<0.000000e+00> : vector<80x128xf32>
    %dot_general3A_111 = tpu.matmul %max3A_80, %get3A_109, %dot_general3A_110 {dimension_numbers = #tpu.dot_dimension_numbers<[1], [0], [0], [1], [0, 0, 1, 1], [], []>, transpose_lhs_hint = false} : vector<80x128xf32>, vector<128x128xf32>, vector<80x128xf32> -> vector<80x128xf32>
    %dot_general3A_112 = arith.constant dense<0.000000e+00> : vector<80x128xf32>
    %dot_general3A_113 = tpu.matmul %div3A_106, %dot_general3A_111, %dot_general3A_112 {dimension_numbers = #tpu.dot_dimension_numbers<[1], [0], [0], [1], [0, 0, 1, 1], [], []>, transpose_lhs_hint = false} : vector<80x80xf32>, vector<80x128xf32>, vector<80x128xf32> -> vector<80x128xf32>
    %get3A_114 = arith.constant 0 : index
    %get3A_115 = arith.constant 0 : index
    %get3A_116 = vector.load %arg20[%get3A_114, %get3A_115] : memref<1x128xf32, #tpu.memory_space<vmem>>, vector<1x128xf32>
    %add3A_117 = vector.broadcast %get3A_116 : vector<1x128xf32> to vector<80x128xf32>
    %add3A_118 = arith.addf %dot_general3A_113, %add3A_117 : vector<80x128xf32>
    %max3A_119 = arith.constant 0.000000e+00 : f32
    %max3A_120 = vector.broadcast %max3A_119 : f32 to vector<80x128xf32>
    %max3A_121 = arith.maximumf %add3A_118, %max3A_120 : vector<80x128xf32>
    %get3A_122 = arith.constant 0 : index
    %get3A_123 = arith.constant 0 : index
    %get3A_124 = vector.load %arg21[%get3A_122, %get3A_123] : memref<128x128xf32, #tpu.memory_space<vmem>>, vector<128x128xf32>
    %dot_general3A_125 = arith.constant dense<0.000000e+00> : vector<80x128xf32>
    %dot_general3A_126 = tpu.matmul %max3A_121, %get3A_124, %dot_general3A_125 {dimension_numbers = #tpu.dot_dimension_numbers<[1], [0], [0], [1], [0, 0, 1, 1], [], []>, transpose_lhs_hint = false} : vector<80x128xf32>, vector<128x128xf32>, vector<80x128xf32> -> vector<80x128xf32>
    %dot_general3A_127 = arith.constant dense<0.000000e+00> : vector<80x128xf32>
    %dot_general3A_128 = tpu.matmul %div3A_106, %dot_general3A_126, %dot_general3A_127 {dimension_numbers = #tpu.dot_dimension_numbers<[1], [0], [0], [1], [0, 0, 1, 1], [], []>, transpose_lhs_hint = false} : vector<80x80xf32>, vector<80x128xf32>, vector<80x128xf32> -> vector<80x128xf32>
    %get3A_129 = arith.constant 0 : index
    %get3A_130 = arith.constant 0 : index
    %get3A_131 = vector.load %arg22[%get3A_129, %get3A_130] : memref<1x128xf32, #tpu.memory_space<vmem>>, vector<1x128xf32>
    %add3A_132 = vector.broadcast %get3A_131 : vector<1x128xf32> to vector<80x128xf32>
    %add3A_133 = arith.addf %dot_general3A_128, %add3A_132 : vector<80x128xf32>
    %max3A_134 = arith.constant 0.000000e+00 : f32
    %max3A_135 = vector.broadcast %max3A_134 : f32 to vector<80x128xf32>
    %max3A_136 = arith.maximumf %add3A_133, %max3A_135 : vector<80x128xf32>
    %get3A_137 = arith.constant 0 : index
    %get3A_138 = arith.constant 0 : index
    %get3A_139 = arith.constant 0 : index
    %get3A_140 = vector.load %arg3[%get3A_137, %get3A_138, %get3A_139] : memref<1x80x512xf32, #tpu.memory_space<vmem>>, vector<1x40x512xf32>
    %get3A_141 = vector.shape_cast %get3A_140 : vector<1x40x512xf32> to vector<40x512xf32>
    %slice3A = vector.extract_strided_slice %max3A_136 {offsets = [0, 0], sizes = [40, 128], strides = [1, 1]} : vector<80x128xf32> to vector<40x128xf32>
    %dot_general3A_142 = arith.constant dense<0.000000e+00> : vector<512x128xf32>
    %dot_general3A_143 = tpu.matmul %get3A_141, %slice3A, %dot_general3A_142 {dimension_numbers = #tpu.dot_dimension_numbers<[0], [0], [1], [1], [0, 1, 1, 1], [], []>, transpose_lhs_hint = false} : vector<40x512xf32>, vector<40x128xf32>, vector<512x128xf32> -> vector<512x128xf32>
    %add3A_144 = arith.addf %max3A_24, %dot_general3A_143 : vector<512x128xf32>
    %get3A_145 = arith.constant 0 : index
    %get3A_146 = arith.constant 0 : index
    %get3A_147 = arith.constant 0 : index
    %get3A_148 = vector.load %arg4[%get3A_145, %get3A_146, %get3A_147] : memref<1x120x512xf32, #tpu.memory_space<vmem>>, vector<1x120x512xf32>
    %get3A_149 = vector.shape_cast %get3A_148 : vector<1x120x512xf32> to vector<120x512xf32>
    %dot_general3A_150 = arith.constant dense<0.000000e+00> : vector<120x128xf32>
    %dot_general3A_151 = tpu.matmul %get3A_149, %add3A_144, %dot_general3A_150 {dimension_numbers = #tpu.dot_dimension_numbers<[1], [0], [0], [1], [0, 0, 1, 1], [], []>, transpose_lhs_hint = false} : vector<120x512xf32>, vector<512x128xf32>, vector<120x128xf32> -> vector<120x128xf32>
    %get3A_152 = arith.constant 0 : index
    %get3A_153 = arith.constant 0 : index
    %get3A_154 = arith.constant 0 : index
    %get3A_155 = vector.load %arg5[%get3A_152, %get3A_153, %get3A_154] : memref<1x120x512xf32, #tpu.memory_space<vmem>>, vector<1x120x512xf32>
    %get3A_156 = vector.shape_cast %get3A_155 : vector<1x120x512xf32> to vector<120x512xf32>
    %dot_general3A_157 = arith.constant dense<0.000000e+00> : vector<120x128xf32>
    %dot_general3A_158 = tpu.matmul %get3A_156, %add3A_144, %dot_general3A_157 {dimension_numbers = #tpu.dot_dimension_numbers<[1], [0], [0], [1], [0, 0, 1, 1], [], []>, transpose_lhs_hint = false} : vector<120x512xf32>, vector<512x128xf32>, vector<120x128xf32> -> vector<120x128xf32>
    %iota3A = tpu.iota {dimensions = array<i32: 1>} : vector<120x20xi32>
    %get3A_159 = arith.constant 0 : index
    %get3A_160 = arith.constant 0 : index
    %get3A_161 = arith.constant 0 : index
    %get3A_162 = vector.load %arg6[%get3A_159, %get3A_160, %get3A_161] : memref<1x1x120xi32, #tpu.memory_space<vmem>>, vector<1x1x120xi32>
    %get3A_163 = vector.shape_cast %get3A_162 : vector<1x1x120xi32> to vector<120xi32>
    %broadcast_in_dim3A_164 = vector.shape_cast %get3A_163 : vector<120xi32> to vector<120x1xi32>
    %eq3A = vector.broadcast %broadcast_in_dim3A_164 : vector<120x1xi32> to vector<120x20xi32>
    %eq3A_165 = arith.cmpi eq, %iota3A, %eq3A : vector<120x20xi32>
    %jit3A = arith.constant 1.000000e+00 : f32
    %jit3A_166 = arith.constant 0.000000e+00 : f32
    %broadcast_in_dim3A_167 = vector.broadcast %jit3A : f32 to vector<120x20xf32>
    %broadcast_in_dim3A_168 = vector.broadcast %jit3A_166 : f32 to vector<120x20xf32>
    %select_n3A = arith.select %eq3A_165, %broadcast_in_dim3A_167, %broadcast_in_dim3A_168 : vector<120x20xi1>, vector<120x20xf32>
    %get3A_169 = arith.constant 0 : index
    %get3A_170 = arith.constant 0 : index
    %get3A_171 = arith.constant 0 : index
    %get3A_172 = vector.load %arg7[%get3A_169, %get3A_170, %get3A_171] : memref<1x1x120xi32, #tpu.memory_space<vmem>>, vector<1x1x120xi32>
    %get3A_173 = vector.shape_cast %get3A_172 : vector<1x1x120xi32> to vector<120xi32>
    %broadcast_in_dim3A_174 = vector.shape_cast %get3A_173 : vector<120xi32> to vector<120x1xi32>
    %eq3A_175 = vector.broadcast %broadcast_in_dim3A_174 : vector<120x1xi32> to vector<120x20xi32>
    %eq3A_176 = arith.cmpi eq, %iota3A, %eq3A_175 : vector<120x20xi32>
    %jit3A_177 = arith.constant 1.000000e+00 : f32
    %jit3A_178 = arith.constant 0.000000e+00 : f32
    %broadcast_in_dim3A_179 = vector.broadcast %jit3A_177 : f32 to vector<120x20xf32>
    %broadcast_in_dim3A_180 = vector.broadcast %jit3A_178 : f32 to vector<120x20xf32>
    %select_n3A_181 = arith.select %eq3A_176, %broadcast_in_dim3A_179, %broadcast_in_dim3A_180 : vector<120x20xi1>, vector<120x20xf32>
    %get3A_182 = arith.constant 0 : index
    %get3A_183 = arith.constant 0 : index
    %get3A_184 = vector.load %arg23[%get3A_182, %get3A_183] : memref<20x20xf32, #tpu.memory_space<vmem>>, vector<20x20xf32>
    %dot_general3A_185 = arith.constant dense<0.000000e+00> : vector<120x20xf32>
    %dot_general3A_186 = tpu.matmul %select_n3A, %get3A_184, %dot_general3A_185 {dimension_numbers = #tpu.dot_dimension_numbers<[1], [0], [0], [1], [0, 0, 1, 1], [], []>, transpose_lhs_hint = false} : vector<120x20xf32>, vector<20x20xf32>, vector<120x20xf32> -> vector<120x20xf32>
    %get3A_187 = arith.constant 0 : index
    %get3A_188 = arith.constant 0 : index
    %get3A_189 = vector.load %arg23[%get3A_187, %get3A_188] : memref<20x20xf32, #tpu.memory_space<vmem>>, vector<20x20xf32>
    %dot_general3A_190 = arith.constant dense<0.000000e+00> : vector<120x20xf32>
    %dot_general3A_191 = tpu.matmul %select_n3A_181, %get3A_189, %dot_general3A_190 {dimension_numbers = #tpu.dot_dimension_numbers<[1], [0], [0], [1], [0, 0, 1, 1], [], []>, transpose_lhs_hint = false} : vector<120x20xf32>, vector<20x20xf32>, vector<120x20xf32> -> vector<120x20xf32>
    %swap3A = arith.constant 0 : index
    %swap3A_192 = arith.constant 0 : index
    %swap3A_193 = arith.constant 0 : index
    %swap3A_194 = vector.load %arg24[%swap3A, %swap3A_192, %swap3A_193] : memref<1x120x148xf32, #tpu.memory_space<vmem>>, vector<1x120x128xf32>
    %swap3A_195 = vector.shape_cast %swap3A_194 : vector<1x120x128xf32> to vector<120x128xf32>
    %swap3A_196 = vector.shape_cast %dot_general3A_151 : vector<120x128xf32> to vector<1x120x128xf32>
    tpu.vector_store %arg24[%swap3A, %swap3A_192, %swap3A_193], %swap3A_196 {strides = array<i32>} : memref<1x120x148xf32, #tpu.memory_space<vmem>>, vector<1x120x128xf32>,
    %swap3A_197 = arith.constant 0 : index
    %swap3A_198 = arith.constant 0 : index
    %swap3A_199 = arith.constant 128 : index
    %swap3A_200 = vector.load %arg24[%swap3A_197, %swap3A_198, %swap3A_199] : memref<1x120x148xf32, #tpu.memory_space<vmem>>, vector<1x120x20xf32>
    %swap3A_201 = vector.shape_cast %swap3A_200 : vector<1x120x20xf32> to vector<120x20xf32>
    %swap3A_202 = vector.shape_cast %dot_general3A_186 : vector<120x20xf32> to vector<1x120x20xf32>
    tpu.vector_store %arg24[%swap3A_197, %swap3A_198, %swap3A_199], %swap3A_202 {strides = array<i32>} : memref<1x120x148xf32, #tpu.memory_space<vmem>>, vector<1x120x20xf32>,
    %swap3A_203 = arith.constant 0 : index
    %swap3A_204 = arith.constant 0 : index
    %swap3A_205 = arith.constant 0 : index
    %swap3A_206 = vector.load %arg25[%swap3A_203, %swap3A_204, %swap3A_205] : memref<1x120x148xf32, #tpu.memory_space<vmem>>, vector<1x120x128xf32>
    %swap3A_207 = vector.shape_cast %swap3A_206 : vector<1x120x128xf32> to vector<120x128xf32>
    %swap3A_208 = vector.shape_cast %dot_general3A_158 : vector<120x128xf32> to vector<1x120x128xf32>
    tpu.vector_store %arg25[%swap3A_203, %swap3A_204, %swap3A_205], %swap3A_208 {strides = array<i32>} : memref<1x120x148xf32, #tpu.memory_space<vmem>>, vector<1x120x128xf32>,
    %swap3A_209 = arith.constant 0 : index
    %swap3A_210 = arith.constant 0 : index
    %swap3A_211 = arith.constant 128 : index
    %swap3A_212 = vector.load %arg25[%swap3A_209, %swap3A_210, %swap3A_211] : memref<1x120x148xf32, #tpu.memory_space<vmem>>, vector<1x120x20xf32>
    %swap3A_213 = vector.shape_cast %swap3A_212 : vector<1x120x20xf32> to vector<120x20xf32>
    %swap3A_214 = vector.shape_cast %dot_general3A_191 : vector<120x20xf32> to vector<1x120x20xf32>
    tpu.vector_store %arg25[%swap3A_209, %swap3A_210, %swap3A_211], %swap3A_214 {strides = array<i32>} : memref<1x120x148xf32, #tpu.memory_space<vmem>>, vector<1x120x20xf32>,
    return
  }
  func.func @transform_0(%arg0: i32) -> (i32, i32, i32) {
    %c0_i32 = arith.constant 0 : i32
    %c0_i32_0 = arith.constant 0 : i32
    %c0_i32_1 = arith.constant 0 : i32
    %c0_i32_2 = arith.constant 0 : i32
    return %c0_i32, %c0_i32_0, %c0_i32_1 : i32, i32, i32
  }
  func.func @transform_1(%arg0: i32) -> (i32, i32, i32) {
    %c0_i32 = arith.constant 0 : i32
    %c0_i32_0 = arith.constant 0 : i32
    %c0_i32_1 = arith.constant 0 : i32
    %c0_i32_2 = arith.constant 0 : i32
    return %c0_i32, %c0_i32_0, %c0_i32_1 : i32, i32, i32
  }
  func.func @transform_2(%arg0: i32) -> (i32, i32, i32) {
    %c0_i32 = arith.constant 0 : i32
    %c0_i32_0 = arith.constant 0 : i32
    %c0_i32_1 = arith.constant 0 : i32
    return %arg0, %c0_i32, %c0_i32_0 : i32, i32, i32
  }
  func.func @transform_3(%arg0: i32) -> (i32, i32, i32) {
    %c0_i32 = arith.constant 0 : i32
    %c0_i32_0 = arith.constant 0 : i32
    %c0_i32_1 = arith.constant 0 : i32
    return %arg0, %c0_i32, %c0_i32_0 : i32, i32, i32
  }
  func.func @transform_4(%arg0: i32) -> (i32, i32, i32) {
    %c0_i32 = arith.constant 0 : i32
    %c0_i32_0 = arith.constant 0 : i32
    %c0_i32_1 = arith.constant 0 : i32
    return %arg0, %c0_i32, %c0_i32_0 : i32, i32, i32
  }
  func.func @transform_5(%arg0: i32) -> (i32, i32, i32) {
    %c0_i32 = arith.constant 0 : i32
    %c0_i32_0 = arith.constant 0 : i32
    %c0_i32_1 = arith.constant 0 : i32
    return %arg0, %c0_i32, %c0_i32_0 : i32, i32, i32
  }
  func.func @transform_6(%arg0: i32) -> (i32, i32, i32) {
    %c0_i32 = arith.constant 0 : i32
    %c0_i32_0 = arith.constant 0 : i32
    %c0_i32_1 = arith.constant 0 : i32
    return %arg0, %c0_i32, %c0_i32_0 : i32, i32, i32
  }
  func.func @transform_7(%arg0: i32) -> (i32, i32) {
    %c0_i32 = arith.constant 0 : i32
    %c0_i32_0 = arith.constant 0 : i32
    %c0_i32_1 = arith.constant 0 : i32
    return %c0_i32, %c0_i32_0 : i32, i32
  }
  func.func @transform_8(%arg0: i32) -> (i32, i32) {
    %c0_i32 = arith.constant 0 : i32
    %c0_i32_0 = arith.constant 0 : i32
    %c0_i32_1 = arith.constant 0 : i32
    return %c0_i32, %c0_i32_0 : i32, i32
  }
  func.func @transform_9(%arg0: i32) -> (i32, i32) {
    %c0_i32 = arith.constant 0 : i32
    %c0_i32_0 = arith.constant 0 : i32
    %c0_i32_1 = arith.constant 0 : i32
    return %c0_i32, %c0_i32_0 : i32, i32
  }
  func.func @transform_10(%arg0: i32) -> (i32, i32) {
    %c0_i32 = arith.constant 0 : i32
    %c0_i32_0 = arith.constant 0 : i32
    %c0_i32_1 = arith.constant 0 : i32
    return %c0_i32, %c0_i32_0 : i32, i32
  }
  func.func @transform_11(%arg0: i32) -> (i32, i32) {
    %c0_i32 = arith.constant 0 : i32
    %c0_i32_0 = arith.constant 0 : i32
    %c0_i32_1 = arith.constant 0 : i32
    return %c0_i32, %c0_i32_0 : i32, i32
  }
  func.func @transform_12(%arg0: i32) -> (i32, i32) {
    %c0_i32 = arith.constant 0 : i32
    %c0_i32_0 = arith.constant 0 : i32
    %c0_i32_1 = arith.constant 0 : i32
    return %c0_i32, %c0_i32_0 : i32, i32
  }
  func.func @transform_13(%arg0: i32) -> (i32, i32) {
    %c0_i32 = arith.constant 0 : i32
    %c0_i32_0 = arith.constant 0 : i32
    %c0_i32_1 = arith.constant 0 : i32
    return %c0_i32, %c0_i32_0 : i32, i32
  }
  func.func @transform_14(%arg0: i32) -> (i32, i32) {
    %c0_i32 = arith.constant 0 : i32
    %c0_i32_0 = arith.constant 0 : i32
    %c0_i32_1 = arith.constant 0 : i32
    return %c0_i32, %c0_i32_0 : i32, i32
  }
  func.func @transform_15(%arg0: i32) -> (i32, i32) {
    %c0_i32 = arith.constant 0 : i32
    %c0_i32_0 = arith.constant 0 : i32
    %c0_i32_1 = arith.constant 0 : i32
    return %c0_i32, %c0_i32_0 : i32, i32
  }
  func.func @transform_16(%arg0: i32) -> (i32, i32) {
    %c0_i32 = arith.constant 0 : i32
    %c0_i32_0 = arith.constant 0 : i32
    %c0_i32_1 = arith.constant 0 : i32
    return %c0_i32, %c0_i32_0 : i32, i32
  }
  func.func @transform_17(%arg0: i32) -> (i32, i32) {
    %c0_i32 = arith.constant 0 : i32
    %c0_i32_0 = arith.constant 0 : i32
    %c0_i32_1 = arith.constant 0 : i32
    return %c0_i32, %c0_i32_0 : i32, i32
  }
  func.func @transform_18(%arg0: i32) -> (i32, i32) {
    %c0_i32 = arith.constant 0 : i32
    %c0_i32_0 = arith.constant 0 : i32
    %c0_i32_1 = arith.constant 0 : i32
    return %c0_i32, %c0_i32_0 : i32, i32
  }
  func.func @transform_19(%arg0: i32) -> (i32, i32) {
    %c0_i32 = arith.constant 0 : i32
    %c0_i32_0 = arith.constant 0 : i32
    %c0_i32_1 = arith.constant 0 : i32
    return %c0_i32, %c0_i32_0 : i32, i32
  }
  func.func @transform_20(%arg0: i32) -> (i32, i32) {
    %c0_i32 = arith.constant 0 : i32
    %c0_i32_0 = arith.constant 0 : i32
    %c0_i32_1 = arith.constant 0 : i32
    return %c0_i32, %c0_i32_0 : i32, i32
  }
  func.func @transform_21(%arg0: i32) -> (i32, i32) {
    %c0_i32 = arith.constant 0 : i32
    %c0_i32_0 = arith.constant 0 : i32
    %c0_i32_1 = arith.constant 0 : i32
    return %c0_i32, %c0_i32_0 : i32, i32
  }
  func.func @transform_22(%arg0: i32) -> (i32, i32) {
    %c0_i32 = arith.constant 0 : i32
    %c0_i32_0 = arith.constant 0 : i32
    %c0_i32_1 = arith.constant 0 : i32
    return %c0_i32, %c0_i32_0 : i32, i32
  }
  func.func @transform_23(%arg0: i32) -> (i32, i32, i32) {
    %c0_i32 = arith.constant 0 : i32
    %c0_i32_0 = arith.constant 0 : i32
    %c0_i32_1 = arith.constant 0 : i32
    return %arg0, %c0_i32, %c0_i32_0 : i32, i32, i32
  }
  func.func @transform_24(%arg0: i32) -> (i32, i32, i32) {
    %c0_i32 = arith.constant 0 : i32
    %c0_i32_0 = arith.constant 0 : i32
    %c0_i32_1 = arith.constant 0 : i32
    return %arg0, %c0_i32, %c0_i32_0 : i32, i32, i32
  }
}

module attributes {stable_mosaic.version = 14 : i64} {
  func.func @_bil_body(%arg0: i32, %arg1: memref<148x1920xbf16, #tpu.memory_space<vmem>>, %arg2: memref<1x4x1920xf32, #tpu.memory_space<vmem>>, %arg3: memref<148x512xf32, #tpu.memory_space<vmem>>, %arg4: memref<128x1920xf32, #tpu.memory_space<vmem>>) attributes {dimension_semantics = [#tpu.dimension_semantics<arbitrary>], iteration_bounds = array<i64: 37>, scalar_prefetch = 0 : i64, scratch_operands = 0 : i64, tpu.core_type = #tpu.core_type<tc>, window_params = [{pipeline_mode = #tpu.pipeline_mode<synchronous>, transform_indices = @transform_0, window_bounds = array<i64: 148, 1920>}, {transform_indices = @transform_1, window_bounds = array<i64: 1, 4, 1920>}, {transform_indices = @transform_2, window_bounds = array<i64: 148, 512>}, {pipeline_mode = #tpu.pipeline_mode<synchronous>, transform_indices = @transform_3, window_bounds = array<i64: 128, 1920>}]} {
    %get3A = arith.constant 0 : index
    %get3A_0 = arith.constant 0 : index
    %get3A_1 = vector.load %arg3[%get3A, %get3A_0] : memref<148x512xf32, #tpu.memory_space<vmem>>, vector<148x512xf32>
    %convert_element_type3A = arith.truncf %get3A_1 : vector<148x512xf32> to vector<148x512xbf16>
    %get3A_2 = arith.constant 0 : index
    %get3A_3 = arith.constant 0 : index
    %get3A_4 = vector.load %arg1[%get3A_2, %get3A_3] : memref<148x1920xbf16, #tpu.memory_space<vmem>>, vector<148x1920xbf16>
    %dot_general3A = arith.constant dense<0.000000e+00> : vector<512x1920xf32>
    %dot_general3A_5 = tpu.matmul %convert_element_type3A, %get3A_4, %dot_general3A {dimension_numbers = #tpu.dot_dimension_numbers<[0], [0], [1], [1], [0, 1, 1, 1], [], []>, transpose_lhs_hint = false} : vector<148x512xbf16>, vector<148x1920xbf16>, vector<512x1920xf32> -> vector<512x1920xf32>
    %slice3A = vector.extract_strided_slice %dot_general3A_5 {offsets = [0, 0], sizes = [128, 1920], strides = [1, 1]} : vector<512x1920xf32> to vector<128x1920xf32>
    %get3A_6 = arith.constant 0 : index
    %get3A_7 = arith.constant 0 : index
    %get3A_8 = arith.constant 0 : index
    %get3A_9 = vector.load %arg2[%get3A_6, %get3A_7, %get3A_8] : memref<1x4x1920xf32, #tpu.memory_space<vmem>>, vector<1x1x1920xf32>
    %get3A_10 = vector.shape_cast %get3A_9 : vector<1x1x1920xf32> to vector<1920xf32>
    %broadcast_in_dim3A = vector.shape_cast %get3A_10 : vector<1920xf32> to vector<1x1920xf32>
    %mul3A = vector.broadcast %broadcast_in_dim3A : vector<1x1920xf32> to vector<128x1920xf32>
    %mul3A_11 = arith.mulf %slice3A, %mul3A : vector<128x1920xf32>
    %slice3A_12 = vector.extract_strided_slice %dot_general3A_5 {offsets = [128, 0], sizes = [128, 1920], strides = [1, 1]} : vector<512x1920xf32> to vector<128x1920xf32>
    %get3A_13 = arith.constant 0 : index
    %get3A_14 = arith.constant 1 : index
    %get3A_15 = arith.constant 0 : index
    %get3A_16 = vector.load %arg2[%get3A_13, %get3A_14, %get3A_15] : memref<1x4x1920xf32, #tpu.memory_space<vmem>>, vector<1x1x1920xf32>
    %get3A_17 = vector.shape_cast %get3A_16 : vector<1x1x1920xf32> to vector<1920xf32>
    %broadcast_in_dim3A_18 = vector.shape_cast %get3A_17 : vector<1920xf32> to vector<1x1920xf32>
    %mul3A_19 = vector.broadcast %broadcast_in_dim3A_18 : vector<1x1920xf32> to vector<128x1920xf32>
    %mul3A_20 = arith.mulf %slice3A_12, %mul3A_19 : vector<128x1920xf32>
    %add3A = arith.addf %mul3A_11, %mul3A_20 : vector<128x1920xf32>
    %slice3A_21 = vector.extract_strided_slice %dot_general3A_5 {offsets = [256, 0], sizes = [128, 1920], strides = [1, 1]} : vector<512x1920xf32> to vector<128x1920xf32>
    %get3A_22 = arith.constant 0 : index
    %get3A_23 = arith.constant 2 : index
    %get3A_24 = arith.constant 0 : index
    %get3A_25 = vector.load %arg2[%get3A_22, %get3A_23, %get3A_24] : memref<1x4x1920xf32, #tpu.memory_space<vmem>>, vector<1x1x1920xf32>
    %get3A_26 = vector.shape_cast %get3A_25 : vector<1x1x1920xf32> to vector<1920xf32>
    %broadcast_in_dim3A_27 = vector.shape_cast %get3A_26 : vector<1920xf32> to vector<1x1920xf32>
    %mul3A_28 = vector.broadcast %broadcast_in_dim3A_27 : vector<1x1920xf32> to vector<128x1920xf32>
    %mul3A_29 = arith.mulf %slice3A_21, %mul3A_28 : vector<128x1920xf32>
    %add3A_30 = arith.addf %add3A, %mul3A_29 : vector<128x1920xf32>
    %slice3A_31 = vector.extract_strided_slice %dot_general3A_5 {offsets = [384, 0], sizes = [128, 1920], strides = [1, 1]} : vector<512x1920xf32> to vector<128x1920xf32>
    %get3A_32 = arith.constant 0 : index
    %get3A_33 = arith.constant 3 : index
    %get3A_34 = arith.constant 0 : index
    %get3A_35 = vector.load %arg2[%get3A_32, %get3A_33, %get3A_34] : memref<1x4x1920xf32, #tpu.memory_space<vmem>>, vector<1x1x1920xf32>
    %get3A_36 = vector.shape_cast %get3A_35 : vector<1x1x1920xf32> to vector<1920xf32>
    %broadcast_in_dim3A_37 = vector.shape_cast %get3A_36 : vector<1920xf32> to vector<1x1920xf32>
    %mul3A_38 = vector.broadcast %broadcast_in_dim3A_37 : vector<1x1920xf32> to vector<128x1920xf32>
    %mul3A_39 = arith.mulf %slice3A_31, %mul3A_38 : vector<128x1920xf32>
    %add3A_40 = arith.addf %add3A_30, %mul3A_39 : vector<128x1920xf32>
    %eq3A = arith.constant 0 : i32
    %eq3A_41 = arith.cmpi eq, %arg0, %eq3A : i32
    %convert_element_type3A_42 = arith.extui %eq3A_41 : i1 to i32
    %cond3A = arith.constant 0 : i32
    %cond3A_43 = arith.cmpi ne, %convert_element_type3A_42, %cond3A : i32
    scf.if %cond3A_43 {
      %swap3A = arith.constant 0 : index
      %swap3A_48 = arith.constant 0 : index
      %swap3A_49 = vector.load %arg4[%swap3A, %swap3A_48] : memref<128x1920xf32, #tpu.memory_space<vmem>>, vector<128x1920xf32>
      tpu.vector_store %arg4[%swap3A, %swap3A_48], %add3A_40 {strides = array<i32>} : memref<128x1920xf32, #tpu.memory_space<vmem>>, vector<128x1920xf32>,
    } else {
    }
    %ne3A = arith.constant 0 : i32
    %ne3A_44 = arith.cmpi ne, %arg0, %ne3A : i32
    %convert_element_type3A_45 = arith.extui %ne3A_44 : i1 to i32
    %cond3A_46 = arith.constant 0 : i32
    %cond3A_47 = arith.cmpi ne, %convert_element_type3A_45, %cond3A_46 : i32
    scf.if %cond3A_47 {
      %get3A_48 = arith.constant 0 : index
      %get3A_49 = arith.constant 0 : index
      %get3A_50 = vector.load %arg4[%get3A_48, %get3A_49] : memref<128x1920xf32, #tpu.memory_space<vmem>>, vector<128x1920xf32>
      %add3A_51 = arith.addf %get3A_50, %add3A_40 : vector<128x1920xf32>
      %swap3A = arith.constant 0 : index
      %swap3A_52 = arith.constant 0 : index
      %swap3A_53 = vector.load %arg4[%swap3A, %swap3A_52] : memref<128x1920xf32, #tpu.memory_space<vmem>>, vector<128x1920xf32>
      tpu.vector_store %arg4[%swap3A, %swap3A_52], %add3A_51 {strides = array<i32>} : memref<128x1920xf32, #tpu.memory_space<vmem>>, vector<128x1920xf32>,
    } else {
    }
    return
  }
  func.func @transform_0(%arg0: i32) -> (i32, i32) {
    %c0_i32 = arith.constant 0 : i32
    %c0_i32_0 = arith.constant 0 : i32
    %c0_i32_1 = arith.constant 0 : i32
    return %c0_i32, %c0_i32_0 : i32, i32
  }
  func.func @transform_1(%arg0: i32) -> (i32, i32, i32) {
    %c0_i32 = arith.constant 0 : i32
    %c0_i32_0 = arith.constant 0 : i32
    %c0_i32_1 = arith.constant 0 : i32
    return %arg0, %c0_i32, %c0_i32_0 : i32, i32, i32
  }
  func.func @transform_2(%arg0: i32) -> (i32, i32) {
    %c0_i32 = arith.constant 0 : i32
    %c0_i32_0 = arith.constant 0 : i32
    return %c0_i32, %arg0 : i32, i32
  }
  func.func @transform_3(%arg0: i32) -> (i32, i32) {
    %c0_i32 = arith.constant 0 : i32
    %c0_i32_0 = arith.constant 0 : i32
    %c0_i32_1 = arith.constant 0 : i32
    return %c0_i32, %c0_i32_0 : i32, i32
  }
}

module attributes {stable_mosaic.version = 14 : i64} {
  func.func @_att_body(%arg0: i32, %arg1: memref<1x128x120xf32, #tpu.memory_space<vmem>>, %arg2: memref<1x1x120xf32, #tpu.memory_space<vmem>>, %arg3: memref<128x1xf32, #tpu.memory_space<vmem>>, %arg4: memref<128x128xf32, #tpu.memory_space<vmem>>, %arg5: memref<128x97xf32, #tpu.memory_space<vmem>>, %arg6: memref<128x97xf32, #tpu.memory_space<vmem>>, %arg7: memref<1x97xf32, #tpu.memory_space<vmem>>, %arg8: memref<1x120x97xf32, #tpu.memory_space<vmem>>) attributes {dimension_semantics = [#tpu.dimension_semantics<arbitrary>], iteration_bounds = array<i64: 16>, scalar_prefetch = 0 : i64, scratch_operands = 0 : i64, tpu.core_type = #tpu.core_type<tc>, window_params = [{transform_indices = @transform_0, window_bounds = array<i64: 1, 128, 120>}, {transform_indices = @transform_1, window_bounds = array<i64: 1, 1, 120>}, {pipeline_mode = #tpu.pipeline_mode<synchronous>, transform_indices = @transform_2, window_bounds = array<i64: 128, 1>}, {pipeline_mode = #tpu.pipeline_mode<synchronous>, transform_indices = @transform_3, window_bounds = array<i64: 128, 128>}, {pipeline_mode = #tpu.pipeline_mode<synchronous>, transform_indices = @transform_4, window_bounds = array<i64: 128, 97>}, {pipeline_mode = #tpu.pipeline_mode<synchronous>, transform_indices = @transform_5, window_bounds = array<i64: 128, 97>}, {pipeline_mode = #tpu.pipeline_mode<synchronous>, transform_indices = @transform_6, window_bounds = array<i64: 1, 97>}, {transform_indices = @transform_7, window_bounds = array<i64: 1, 120, 97>}]} {
    %get3A = arith.constant 0 : index
    %get3A_0 = arith.constant 0 : index
    %get3A_1 = arith.constant 0 : index
    %get3A_2 = vector.load %arg1[%get3A, %get3A_0, %get3A_1] : memref<1x128x120xf32, #tpu.memory_space<vmem>>, vector<1x128x120xf32>
    %get3A_3 = vector.shape_cast %get3A_2 : vector<1x128x120xf32> to vector<128x120xf32>
    %get3A_4 = arith.constant 0 : index
    %get3A_5 = arith.constant 0 : index
    %get3A_6 = vector.load %arg3[%get3A_4, %get3A_5] : memref<128x1xf32, #tpu.memory_space<vmem>>, vector<128x1xf32>
    %add3A = vector.broadcast %get3A_6 : vector<128x1xf32> to vector<128x120xf32>
    %add3A_7 = arith.addf %get3A_3, %add3A : vector<128x120xf32>
    %max3A = arith.constant 0.000000e+00 : f32
    %max3A_8 = vector.broadcast %max3A : f32 to vector<128x120xf32>
    %max3A_9 = arith.maximumf %add3A_7, %max3A_8 : vector<128x120xf32>
    %get3A_10 = arith.constant 0 : index
    %get3A_11 = arith.constant 0 : index
    %get3A_12 = vector.load %arg4[%get3A_10, %get3A_11] : memref<128x128xf32, #tpu.memory_space<vmem>>, vector<128x128xf32>
    %dot_general3A = arith.constant dense<0.000000e+00> : vector<120x128xf32>
    %dot_general3A_13 = tpu.matmul %max3A_9, %get3A_12, %dot_general3A {dimension_numbers = #tpu.dot_dimension_numbers<[0], [0], [1], [1], [0, 1, 1, 1], [], []>, transpose_lhs_hint = false} : vector<128x120xf32>, vector<128x128xf32>, vector<120x128xf32> -> vector<120x128xf32>
    %dot_general3A_14 = arith.constant dense<0.000000e+00> : vector<120x120xf32>
    %dot_general3A_15 = tpu.matmul %dot_general3A_13, %max3A_9, %dot_general3A_14 {dimension_numbers = #tpu.dot_dimension_numbers<[1], [0], [0], [1], [0, 0, 1, 1], [], []>, transpose_lhs_hint = false} : vector<120x128xf32>, vector<128x120xf32>, vector<120x120xf32> -> vector<120x120xf32>
    %get3A_16 = arith.constant 0 : index
    %get3A_17 = arith.constant 0 : index
    %get3A_18 = arith.constant 0 : index
    %get3A_19 = vector.load %arg2[%get3A_16, %get3A_17, %get3A_18] : memref<1x1x120xf32, #tpu.memory_space<vmem>>, vector<1x1x120xf32>
    %get3A_20 = vector.shape_cast %get3A_19 : vector<1x1x120xf32> to vector<120xf32>
    %sub3A = arith.constant 1.000000e+00 : f32
    %sub3A_21 = vector.broadcast %sub3A : f32 to vector<120xf32>
    %sub3A_22 = arith.subf %sub3A_21, %get3A_20 : vector<120xf32>
    %broadcast_in_dim3A = vector.shape_cast %sub3A_22 : vector<120xf32> to vector<1x120xf32>
    %mul3A = arith.constant 1.000000e+09 : f32
    %mul3A_23 = vector.broadcast %mul3A : f32 to vector<1x120xf32>
    %mul3A_24 = arith.mulf %broadcast_in_dim3A, %mul3A_23 : vector<1x120xf32>
    %sub3A_25 = vector.broadcast %mul3A_24 : vector<1x120xf32> to vector<120x120xf32>
    %sub3A_26 = arith.subf %dot_general3A_15, %sub3A_25 : vector<120x120xf32>
    %reduce_max3A = arith.constant dense<0xFF800000> : vector<120xf32>
    %reduce_max3A_27 = vector.multi_reduction <maximumf>, %sub3A_26, %reduce_max3A [1] : vector<120x120xf32> to vector<120xf32>
    %broadcast_in_dim3A_28 = vector.shape_cast %reduce_max3A_27 : vector<120xf32> to vector<120x1xf32>
    %sub3A_29 = vector.broadcast %broadcast_in_dim3A_28 : vector<120x1xf32> to vector<120x120xf32>
    %sub3A_30 = arith.subf %sub3A_26, %sub3A_29 : vector<120x120xf32>
    %exp3A = math.exp %sub3A_30 : vector<120x120xf32>
    %reduce_sum3A = arith.constant dense<0.000000e+00> : vector<120xf32>
    %reduce_sum3A_31 = vector.multi_reduction <add>, %exp3A, %reduce_sum3A [1] : vector<120x120xf32> to vector<120xf32>
    %broadcast_in_dim3A_32 = vector.shape_cast %reduce_sum3A_31 : vector<120xf32> to vector<120x1xf32>
    %div3A = vector.broadcast %broadcast_in_dim3A_32 : vector<120x1xf32> to vector<120x120xf32>
    %div3A_33 = arith.divf %exp3A, %div3A : vector<120x120xf32>
    %dot_general3A_34 = arith.constant dense<0.000000e+00> : vector<120x128xf32>
    %dot_general3A_35 = tpu.matmul %div3A_33, %max3A_9, %dot_general3A_34 {dimension_numbers = #tpu.dot_dimension_numbers<[1], [1], [0], [0], [0, 0, 1, 0], [], []>, transpose_lhs_hint = false} : vector<120x120xf32>, vector<128x120xf32>, vector<120x128xf32> -> vector<120x128xf32>
    %get3A_36 = arith.constant 0 : index
    %get3A_37 = arith.constant 0 : index
    %get3A_38 = vector.load %arg5[%get3A_36, %get3A_37] : memref<128x97xf32, #tpu.memory_space<vmem>>, vector<128x97xf32>
    %dot_general3A_39 = arith.constant dense<0.000000e+00> : vector<120x97xf32>
    %dot_general3A_40 = tpu.matmul %max3A_9, %get3A_38, %dot_general3A_39 {dimension_numbers = #tpu.dot_dimension_numbers<[0], [0], [1], [1], [0, 1, 1, 1], [], []>, transpose_lhs_hint = false} : vector<128x120xf32>, vector<128x97xf32>, vector<120x97xf32> -> vector<120x97xf32>
    %get3A_41 = arith.constant 0 : index
    %get3A_42 = arith.constant 0 : index
    %get3A_43 = vector.load %arg6[%get3A_41, %get3A_42] : memref<128x97xf32, #tpu.memory_space<vmem>>, vector<128x97xf32>
    %dot_general3A_44 = arith.constant dense<0.000000e+00> : vector<120x97xf32>
    %dot_general3A_45 = tpu.matmul %dot_general3A_35, %get3A_43, %dot_general3A_44 {dimension_numbers = #tpu.dot_dimension_numbers<[1], [0], [0], [1], [0, 0, 1, 1], [], []>, transpose_lhs_hint = false} : vector<120x128xf32>, vector<128x97xf32>, vector<120x97xf32> -> vector<120x97xf32>
    %add3A_46 = arith.addf %dot_general3A_40, %dot_general3A_45 : vector<120x97xf32>
    %get3A_47 = arith.constant 0 : index
    %get3A_48 = arith.constant 0 : index
    %get3A_49 = vector.load %arg7[%get3A_47, %get3A_48] : memref<1x97xf32, #tpu.memory_space<vmem>>, vector<1x97xf32>
    %add3A_50 = vector.broadcast %get3A_49 : vector<1x97xf32> to vector<120x97xf32>
    %add3A_51 = arith.addf %add3A_46, %add3A_50 : vector<120x97xf32>
    %swap3A = arith.constant 0 : index
    %swap3A_52 = arith.constant 0 : index
    %swap3A_53 = arith.constant 0 : index
    %swap3A_54 = vector.load %arg8[%swap3A, %swap3A_52, %swap3A_53] : memref<1x120x97xf32, #tpu.memory_space<vmem>>, vector<1x120x97xf32>
    %swap3A_55 = vector.shape_cast %swap3A_54 : vector<1x120x97xf32> to vector<120x97xf32>
    %swap3A_56 = vector.shape_cast %add3A_51 : vector<120x97xf32> to vector<1x120x97xf32>
    tpu.vector_store %arg8[%swap3A, %swap3A_52, %swap3A_53], %swap3A_56 {strides = array<i32>} : memref<1x120x97xf32, #tpu.memory_space<vmem>>, vector<1x120x97xf32>,
    return
  }
  func.func @transform_0(%arg0: i32) -> (i32, i32, i32) {
    %c0_i32 = arith.constant 0 : i32
    %c0_i32_0 = arith.constant 0 : i32
    %c0_i32_1 = arith.constant 0 : i32
    return %arg0, %c0_i32, %c0_i32_0 : i32, i32, i32
  }
  func.func @transform_1(%arg0: i32) -> (i32, i32, i32) {
    %c0_i32 = arith.constant 0 : i32
    %c0_i32_0 = arith.constant 0 : i32
    %c0_i32_1 = arith.constant 0 : i32
    return %arg0, %c0_i32, %c0_i32_0 : i32, i32, i32
  }
  func.func @transform_2(%arg0: i32) -> (i32, i32) {
    %c0_i32 = arith.constant 0 : i32
    %c0_i32_0 = arith.constant 0 : i32
    %c0_i32_1 = arith.constant 0 : i32
    return %c0_i32, %c0_i32_0 : i32, i32
  }
  func.func @transform_3(%arg0: i32) -> (i32, i32) {
    %c0_i32 = arith.constant 0 : i32
    %c0_i32_0 = arith.constant 0 : i32
    %c0_i32_1 = arith.constant 0 : i32
    return %c0_i32, %c0_i32_0 : i32, i32
  }
  func.func @transform_4(%arg0: i32) -> (i32, i32) {
    %c0_i32 = arith.constant 0 : i32
    %c0_i32_0 = arith.constant 0 : i32
    %c0_i32_1 = arith.constant 0 : i32
    return %c0_i32, %c0_i32_0 : i32, i32
  }
  func.func @transform_5(%arg0: i32) -> (i32, i32) {
    %c0_i32 = arith.constant 0 : i32
    %c0_i32_0 = arith.constant 0 : i32
    %c0_i32_1 = arith.constant 0 : i32
    return %c0_i32, %c0_i32_0 : i32, i32
  }
  func.func @transform_6(%arg0: i32) -> (i32, i32) {
    %c0_i32 = arith.constant 0 : i32
    %c0_i32_0 = arith.constant 0 : i32
    %c0_i32_1 = arith.constant 0 : i32
    return %c0_i32, %c0_i32_0 : i32, i32
  }
  func.func @transform_7(%arg0: i32) -> (i32, i32, i32) {
    %c0_i32 = arith.constant 0 : i32
    %c0_i32_0 = arith.constant 0 : i32
    %c0_i32_1 = arith.constant 0 : i32
    return %arg0, %c0_i32, %c0_i32_0 : i32, i32, i32
  }
}

</mosaic_0001>

<sc_bundles>
// kernel: kernel.9.cloned.1.call-start
scs
__scs_entry_jumppad:
0x0: {  	(pc) =	sbr.rel $0x88, $3  }
0x1: {  	(tag) =	ssettag $0x0;
	lr =	simm.s32 $0x1  }
0x2: {  	[smem:$0x3F79] =	sst lr;
	_ =	strace $0xD0000000  }
0x3: {  	_ = 	snop  }
0x4: {  	_ = 	snop  }
0x5: {  	_ = 	snop  }
0x6: {  	_ = 	snop  }
0x7: {  	_ = 	snop  }
__scs_overlays_trampoline_lowered:
0x8: {  	[smem:$0x3F88] =	sst s0  }
0x9: {  	[smem:$0x3F89] =	sst s1  }
0xa: {  	[smem:$0x3F8A] =	sst s2  }
0xb: {  	[smem:$0x3F8B] =	sst s3  }
0xc: {  	[smem:$0x3F8C] =	sst s4  }
0xd: {  	[smem:$0x3F8D] =	sst s5  }
0xe: {  	[smem:$0x3F8E] =	sst s6  }
0xf: {  	[smem:$0x3F8F] =	sst s7  }
0x10: {  	[smem:$0x3F90] =	sst s8  }
0x11: {  	[smem:$0x3F91] =	sst s9;
	s0 =	simm.s32 @!p0 $0x0  }
0x12: {  	s1 =	sld [smem:$0x3F77];
	s0 =	simm.s32 @p0 $0x1  }
0x13: {  	[smem:$0x3F92] =	sst s0;
	s0 =	simm.s32 @!p1 $0x0  }
0x14: {  	s2 =	sld [smem:$0x3F76];
	s0 =	simm.s32 @p1 $0x1  }
0x15: {  	[smem:$0x3F93] =	sst s0;
	s0 =	simm.s32 @!p2 $0x0  }
0x16: {  	s3 =	sld [smem:$0x3FDB];
	s0 =	simm.s32 @p2 $0x1  }
0x17: {  	s4 =	simm.s32 $0x1BF5;
	[smem:$0x3F95] =	sst s0  }
0x18: {  	s0 =	sld [smem:$0x3F78];
	_ =	swait.ge [sflag:s4], $0x0  }
0x19: {  	s7 =	sld [smem:$0x3F79]  }
0x1a: {  	s8 =	sadd.s32 $0xFFFFE003, lr  }
0x1b: {  	s9 =	sadd.s32 $0xFFFFFEF7, lr;
	s5 =	simm.s32 $0xFFFFFFFF;
	p2 =	slt.u32 s8, $0xFFFFF086  }
0x1c: {  	p1 =	slt.u32 s9, $0xF7A;
	s5 =	simm.s32 @!p2 $0x0  }
0x1d: {  	s5 =	simm.s32 @p1 $0x1;
	p0 =	seq.s32 s7, s2  }
0x1e: {  	s7 =	smul.u32 @!p0 $0xF7A, s2;
	p2 =	seq.s32 @!p0 s5, $0x0  }
0x1f: {  	s9 =	smul.u32 $0xF7A, s1;
	s8 =	simm.s32 @!p0 $0x1BF5;
	p2 =	por !p2, p0  }
0x20: {  	[sflag:s8] =	ssyncset.s32 @!p0 $0xFFFFF086;
	s6 =	sadd.s32 @!p0 s3, s7;
	s7 =	simm.s32 @!p0 $0x108  }
0x21: {  	s3 =	sadd.s32 s3, s9;
	s6 =	sadd.s32 @!p0 $0x88, s6;
	s7 =	simm.s32 @p2 $0x1082  }
0x22: {  	[simem:s7], [sflag:s8] =	dma.local @!p0 [hbm:s6], $0xF7A  }
0x23: {  	s9 =	sor.u32 $0xD0000000, s2;
	s6 =	simm.s32 $0x108;
	_ =	swait.ge @!p0 [sflag:s8], $0x0  }
0x24: {  	s3 =	sadd.s32 $0x88, s3;
	s6 =	simm.s32 @!p1 $0x1082;
	[sflag:s4] =	ssyncset.s32 $0xFFFFF086  }
0x25: {  	[simem:s6], [sflag:s4] =	dma.local [hbm:s3], $0xF7A  }
0x26: {  	[smem:$0x3F79] =	sst s1;
	(tag) =	ssettag s2;
	_ =	strace s9  }
0x27: {  	s1 =	sld [smem:$0x3F89]  }
0x28: {  	s2 =	sld [smem:$0x3F8A]  }
0x29: {  	s4 =	sld [smem:$0x3F8C]  }
0x2a: {  	p0 =	seq.s32 s5, $0x0;
	s5 =	sld [smem:$0x3F8D]  }
0x2b: {  	s6 =	sld [smem:$0x3F8E]  }
0x2c: {  	s7 =	sld [smem:$0x3F8F]  }
0x2d: {  	s3 =	simm.s32 $0x108;
	s8 =	sld [smem:$0x3F90]  }
0x2e: {  	s3 =	simm.s32 @!p0 $0x1082;
	s9 =	sld [smem:$0x3F91]  }
0x2f: {  	lr =	sadd.s32 s0, s3;
	s0 =	sld [smem:$0x3F88]  }
0x30: {  	s3 =	sld [smem:$0x3F8B]  }
0x31: {  	[smem:$0x3F94] =	sst s10  }
0x32: {  	s10 =	sld [smem:$0x3F92];
	_ =	sdelay $0x3  }
0x33: {  	p0 =	seq.s32 s10, $0x1;
	s10 =	sld [smem:$0x3F94];
	_ =	sdelay $0x3  }
0x34: {  	[smem:$0x3F94] =	sst s10  }
0x35: {  	s10 =	sld [smem:$0x3F93];
	_ =	sdelay $0x3  }
0x36: {  	p1 =	seq.s32 s10, $0x1;
	s10 =	sld [smem:$0x3F94];
	_ =	sdelay $0x3  }
0x37: {  	[smem:$0x3F94] =	sst s10  }
0x38: {  	s10 =	sld [smem:$0x3F95]  }
0x39: {  	_ = 	snop;
	(pc) =	sbr.ind lr, $3  }
0x3a: {  	_ = 	snop  }
0x3b: {  	_ = 	snop  }
0x3c: {  	p2 =	seq.s32 s10, $0x1;
	s10 =	sld [smem:$0x3F94]  }
0x3d: {  	_ =	shalt  }
0x3e: {  	_ =	shalt  }
0x3f: {  	_ =	shalt  }
0x40: {  	_ =	shalt  }
0x41: {  	_ =	shalt  }
0x42: {  	_ =	shalt  }
0x43: {  	_ =	shalt  }
0x44: {  	_ =	shalt  }
0x45: {  	_ =	shalt  }
0x46: {  	_ =	shalt  }
0x47: {  	_ =	shalt  }
0x48: {  	_ =	shalt  }
0x49: {  	_ =	shalt  }
0x4a: {  	_ =	shalt  }
0x4b: {  	_ =	shalt  }
0x4c: {  	_ =	shalt  }
0x4d: {  	_ =	shalt  }
0x4e: {  	_ =	shalt  }
0x4f: {  	_ =	shalt  }
0x50: {  	_ =	shalt  }
0x51: {  	_ =	shalt  }
0x52: {  	_ =	shalt  }
0x53: {  	_ =	shalt  }
0x54: {  	_ =	shalt  }
0x55: {  	_ =	shalt  }
0x56: {  	_ =	shalt  }
0x57: {  	_ =	shalt  }
0x58: {  	_ =	shalt  }
0x59: {  	_ =	shalt  }
0x5a: {  	_ =	shalt  }
0x5b: {  	_ =	shalt  }
0x5c: {  	_ =	shalt  }
0x5d: {  	_ =	shalt  }
0x5e: {  	_ =	shalt  }
0x5f: {  	_ =	shalt  }
0x60: {  	_ =	shalt  }
0x61: {  	_ =	shalt  }
0x62: {  	_ =	shalt  }
0x63: {  	_ =	shalt  }
0x64: {  	_ =	shalt  }
0x65: {  	_ =	shalt  }
0x66: {  	_ =	shalt  }
0x67: {  	_ =	shalt  }
0x68: {  	_ =	shalt  }
0x69: {  	_ =	shalt  }
0x6a: {  	_ =	shalt  }
0x6b: {  	_ =	shalt  }
0x6c: {  	_ =	shalt  }
0x6d: {  	_ =	shalt  }
0x6e: {  	_ =	shalt  }
0x6f: {  	_ =	shalt  }
0x70: {  	_ =	shalt  }
0x71: {  	_ =	shalt  }
0x72: {  	_ =	shalt  }
0x73: {  	_ =	shalt  }
0x74: {  	_ =	shalt  }
0x75: {  	_ =	shalt  }
0x76: {  	_ =	shalt  }
0x77: {  	_ =	shalt  }
0x78: {  	_ =	shalt  }
0x79: {  	_ =	shalt  }
0x7a: {  	_ =	shalt  }
0x7b: {  	_ =	shalt  }
0x7c: {  	_ =	shalt  }
0x7d: {  	_ =	shalt  }
0x7e: {  	_ =	shalt  }
0x7f: {  	_ =	shalt  }
0x80: {  	_ =	shalt  }
0x81: {  	_ =	shalt  }
0x82: {  	_ =	shalt  }
0x83: {  	_ =	shalt  }
0x84: {  	_ =	shalt  }
0x85: {  	_ =	shalt  }
0x86: {  	_ =	shalt  }
0x87: {  	_ =	shalt  }
.Lfunc_end0:
.L_simem_size_0:
called_computation_lowered:
.L_overlay_start_0:
0x88: {  	s2 =	sld [smem:$0x3FD9]  }
0x89: {  	s3 =	sld [smem:$0x3FFE];
	_ =	sdelay $0x1  }
0x8a: {  	s1 =	srdreg.scid  }
0x8b: {  	s0 =	sand.u32 $0x1, s1  }
0x8c: {  	s17 =	sshll.u32 s0, $0xA;
	s2 =	sadd.s32 s3, s2  }
0x8d: {  	s2 =	sadd.s32 s2, s17  }
0x8e: {  	[smem:$0x3FA0] =	sst s2  }
0x8f: {  	_ = 	snop  }
0x90: {  	s2 =	sld [smem:$0x3FD0];
	(tm) =	ssettm $0x1  }
0x91: {  	s18 =	sld [smem:$0x3FFB];
	_ =	sdelay $0x3  }
0x92: {  	_ =	strace s18  }
0x93: {  	s3 =	sld [smem:$0x3FFC];
	_ =	sdelay $0x3  }
0x94: {  	_ =	strace s3  }
0x95: {  	s3 =	sld [smem:$0x3FFD];
	_ =	sdelay $0x3  }
0x96: {  	_ =	strace s3  }
0x97: {  	_ =	strace $0x8FFFFFFF  }
0x98: {  	s19 =	sld [smem:$0x3FDB];
	_ =	sdelay $0x1  }
0x99: {  	s4 =	simm.s32 $_scs_section_size  }
0x9a: {  	s5 =	simm.s32 $_size__tile_overlayer_lowered;
	s6 =	simm.s32 $_tile_overlayer_lowered  }
0x9b: {  	s22 =	simm.s32 $0x1BFF;
	s21 =	sshll.u32 s6, $0x1;
	s3 =	sadd.s32 s4, s19  }
0x9c: {  	s7 =	simm.s32 $0x0;
	s20 =	sshll.u32 s5, $0x1;
	s5 =	sadd.s32 s21, s3  }
0x9d: {  	[timem:s7], [sflag:s22] =	dma.local [hbm:s5], s20  }
0x9e: {  	_ =	swait.ge [sflag:s22], s20  }
0x9f: {  	s4 =	ssub.s32 $0x0, s20;
	[sflag:s22] =	ssyncset.done $0x0  }
0xa0: {  	[sflag:s22] =	ssyncadd.s32 s4;
	_ =	sdelay $0x1  }
0xa1: {  	s23 =	simm.s32 $0x1B8B  }
0xa2: {  	_ =	swait.ge [sflag:s23], $0x1  }
0xa3: {  	[sflag:s23] =	ssyncset.done $0x0  }
0xa4: {  	s25 =	simm.s32 $0x1B8E;
	s24 =	sld [smem:$0x3FFE];
	[sflag:s23] =	ssyncadd.s32 $0xFFFFFFFF  }
0xa5: {  	s26 =	simm.s32 $execute0_lowered;
	[smem:$0x3FD2] =	sst s25  }
0xa6: {  	s5 =	sshll.u32 s26, $0x1;
	_ =	strace $0x80000046;
	[dreg:$0x1] =	wrdreg $0xFFFFFFFF  }
0xa7: {  	s28 =	simm.s32 $_size_execute0_lowered;
	s3 =	sadd.s32 s3, s5;
	[dreg:$0x0] =	wrdreg $0x0  }
0xa8: {  	s5 =	sshll.u32 s28, $0x1;
	[dreg:$0x2] =	wrdreg s3  }
0xa9: {  	[dreg:$0x3] =	wrdreg s5  }
0xaa: {  	[dreg:$0x4] =	wrdreg $0xC0  }
0xab: {  	_ =	task [dreg:s7], $0x5FFFF  }
0xac: {  	[dreg:$0x1] =	wrdreg $0xFFFFFFFF  }
0xad: {  	[dreg:$0x0] =	wrdreg $0x60  }
0xae: {  	[dreg:$0x2] =	wrdreg s24  }
0xaf: {  	[dreg:$0x3] =	wrdreg s2  }
0xb0: {  	[dreg:$0x4] =	wrdreg $0x9  }
0xb1: {  	_ =	task.clear_ibuf [dreg:s7], $0x5FFFF;
	_ =	strace $0x90000046  }
0xb2: {  	s29 =	simm.s32 $0x9;
	_ =	strace $0x80000048  }
0xb3: {  	_ =	swait.ge [sflag:s29], $0x1  }
0xb4: {  	[sflag:s29] =	ssyncadd.s32 $0xFFFFFFFF  }
0xb5: {  	_ =	strace $0x90000048  }
0xb6: {  	_ =	sfence  }
0xb7: {  	s30 =	sld [smem:$0x0];
	_ =	sdelay $0x2  }
0xb8: {  	s31 =	sshll.u32 s1, $0xD;
	s1 =	sshrl.u32 s1, $0x2  }
0xb9: {  	s3 =	sand.u32 $0x4000, s31;
	s1 =	sadd.s32 s1, s30  }
0xba: {  	s0 =	sor.u32 s3, s0;
	s1 =	sshll.u32 s1, $0x11  }
0xbb: {  	s0 =	sor.u32 s1, s0  }
0xbc: {  	s0 =	sadd.s32 $0x8F2B, s0  }
0xbd: {  	[sflag:s0] =	ssyncadd.remote.s32 $0x1  }
0xbe: {  	_ =	sfence.sel $0xFFFF  }
0xbf: {  	[dreg:$0x0] =	wrdreg $0xFFFFFFFF;
	(pc) =	sbr.abs _section_cstart, $3  }
0xc0: {  	[dreg:$0x1] =	wrdreg $0xFFFFFFFF  }
0xc1: {  	_ =	task.clear_ibuf [dreg:s7], $0x2FFFF;
	_ =	strace $0x9FFFFFFF  }
0xc2: {  	(tm) =	ssettm $0x7FFFFFFF  }
0xc3: {  	_ =	shalt  }
tec
execute0_lowered:
.L_overlay_start_1:
0x0: {  	(tag) =	ssettag $0x1  }
0x1: {  	s1 =	srdreg.scid  }
0x2: {  	s0 =	stileid.u32;
	s23 =	sand.u32 $0x1, s1  }
0x3: {  	s22 =	rddreg [dreg:$0x0];
	s31 =	sshll.u32 s0, $0x2;
	s3 =	sshll.u32 s23, $0x1  }
0x4: {  	s2 =	rddreg [dreg:$0x1];
	s24 =	sor.u32 s3, s31  }
0x5: {  	s1 =	rddreg [dreg:$0x2];
	s3 =	simm.s32 $0x0;
	s4 =	sshll.u32 s24, $0x4  }
0x6: {  	[smem:$0x7FF] =	sst s3;
	s8 =	sadd.s32 s4, s22  }
0x7: {  	_ =	strace $0x80000047;
	s4 =	simm.s32 $0x2;
	s5 =	sadd.s32 $0x18FA00, s8  }
0x8: {  	[tilespmem:s3], [sflag:$0x2] =	stream.linear.gather [hbm4b:s5+s3], $0x100, $0x38;
	[tilespmem:$0x18300] =	vst v63  }
0x9: {  	_ =	swait.ge [sflag:s4], $0x100  }
0xa: {  	[sflag:s4] =	ssyncset.done $0x0  }
0xb: {  	s7 =	simm.s32 $0x100;
	s6 =	sadd.s32 $0x18FE00, s8;
	[sflag:s4] =	ssyncadd.s32 $0xFFFFFF00  }
0xc: {  	[tilespmem:s7], [sflag:$0x2] =	stream.linear.gather [hbm4b:s6+s3], $0x100, $0x38;
	[tilespmem:$0x18300] =	vst v63  }
0xd: {  	_ =	swait.ge [sflag:s4], $0x100  }
0xe: {  	[sflag:s4] =	ssyncset.done $0x0  }
0xf: {  	s9 =	simm.s32 $0x200;
	s8 =	sadd.s32 $0x190400, s8;
	[sflag:s4] =	ssyncadd.s32 $0xFFFFFF00  }
0x10: {  	[tilespmem:s9], [sflag:$0x2] =	stream.linear.gather [hbm4b:s8+s3], $0x100, $0x38;
	[tilespmem:$0x18300] =	vst v63  }
0x11: {  	_ =	swait.ge [sflag:s4], $0x100  }
0x12: {  	s11 =	simm.s32 $0x80;
	[sflag:s4] =	ssyncset.done $0x0  }
0x13: {  	s12 =	simm.s32 $0x300;
	s10 =	sadd.s32 $0x9000, s22;
	[sflag:s4] =	ssyncadd.s32 $0xFFFFFF00  }
0x14: {  	[tilespmem:s12], [sflag:$0x1] =	stream.indirect.gather [hbm4b:s10+s11], $0x80, s3, s11, $0xb8;
	[tilespmem:$0x18300] =	vst v63  }
0x15: {  	s13 =	simm.s32 $0x8300  }
0x16: {  	[tilespmem:s13], [sflag:$0x1] =	stream.indirect.gather [hbm4b:s2+s11], $0x80, s7, s11, $0xb8;
	[tilespmem:$0x18300] =	vst v63  }
0x17: {  	s15 =	simm.s32 $0x10300;
	s14 =	sadd.s32 $0x190200, s22  }
0x18: {  	[tilespmem:s15], [sflag:$0x1] =	stream.indirect.gather [hbm4b:s14+s11], $0x80, s9, s11, $0xb8;
	[tilespmem:$0x18300] =	vst v63  }
0x19: {  	s16 =	simm.s32 $0x4300  }
0x1a: {  	[tilespmem:s16], [sflag:$0x1] =	stream.indirect.gather [hbm4b:s10+s11], $0x80, s11, s11, $0xb8;
	[tilespmem:$0x18300] =	vst v63  }
0x1b: {  	s17 =	simm.s32 $0x180;
	s18 =	simm.s32 $0xC300  }
0x1c: {  	[tilespmem:s18], [sflag:$0x1] =	stream.indirect.gather [hbm4b:s2+s11], $0x80, s17, s11, $0xb8;
	[tilespmem:$0x18300] =	vst v63  }
0x1d: {  	s19 =	simm.s32 $0x280;
	s20 =	simm.s32 $0x14300;
	s21 =	simm.s32 $0x1  }
0x1e: {  	[tilespmem:s20], [sflag:$0x1] =	stream.indirect.gather [hbm4b:s14+s11], $0x80, s19, s11, $0xb8;
	[tilespmem:$0x18300] =	vst v63  }
0x1f: {  	_ =	swait.ge [sflag:s21], $0x4000  }
0x20: {  	[sflag:s21] =	ssyncset.done $0x0  }
0x21: {  	[sflag:s21] =	ssyncadd.s32 $0xFFFFC000  }
0x22: {  	_ =	swait.ge [sflag:s21], $0x4000  }
0x23: {  	[sflag:s21] =	ssyncset.done $0x0  }
0x24: {  	[sflag:s21] =	ssyncadd.s32 $0xFFFFC000  }
0x25: {  	_ =	swait.ge [sflag:s21], $0x4000  }
0x26: {  	[sflag:s21] =	ssyncset.done $0x0  }
0x27: {  	[sflag:s21] =	ssyncadd.s32 $0xFFFFC000  }
0x28: {  	_ =	swait.ge [sflag:s21], $0x4000  }
0x29: {  	[sflag:s21] =	ssyncset.done $0x0  }
0x2a: {  	[sflag:s21] =	ssyncadd.s32 $0xFFFFC000  }
0x2b: {  	_ =	swait.ge [sflag:s21], $0x4000  }
0x2c: {  	[sflag:s21] =	ssyncset.done $0x0  }
0x2d: {  	[sflag:s21] =	ssyncadd.s32 $0xFFFFC000  }
0x2e: {  	s24 =	sshll.u32 s24, $0xB;
	_ =	swait.ge [sflag:s21], $0x4000  }
0x2f: {  	s24 =	sadd.s32 s24, s22;
	[sflag:s21] =	ssyncset.done $0x0  }
0x30: {  	s25 =	ssub.s32 $0x2, s23;
	s22 =	sadd.s32 $0x190800, s24;
	[sflag:s21] =	ssyncadd.s32 $0xFFFFC000  }
0x31: {  	[hbm4b:s22+s3] =	stream.linear.scatter [tilespmem:s12], [sflag:$0x2], $0x8000, $0x38;
	[tilespmem:$0x18300] =	vst v63  }
0x32: {  	s26 =	sshrl.u32 s25, $0x1;
	_ =	swait.ge [sflag:s4], $0x8000  }
0x33: {  	s25 =	ssub.s32 s25, s26;
	[sflag:s4] =	ssyncset.done $0x0  }
0x34: {  	s25 =	smax.u32 s25, $0x1;
	s23 =	sadd.s32 $0x1B0800, s24;
	[sflag:s4] =	ssyncadd.s32 $0xFFFF8000  }
0x35: {  	[hbm4b:s23+s3] =	stream.linear.scatter [tilespmem:s13], [sflag:$0x2], $0x8000, $0x38;
	[tilespmem:$0x18300] =	vst v63  }
0x36: {  	p0 =	sne.s32 s25, $0x1;
	_ =	swait.ge [sflag:s4], $0x8000  }
.Ltmp0:
0x37: {  	[sflag:s4] =	ssyncset.done $0x0;
	(pc) =	sbr.rel @!p0 .LBB2_2-.Ltmp0, $4  }
0x38: {  	s24 =	sadd.s32 $0x1D0800, s24;
	[sflag:s4] =	ssyncadd.s32 $0xFFFF8000  }
0x39: {  	[hbm4b:s24+s3] =	stream.linear.scatter [tilespmem:s15], [sflag:$0x2], $0x8000, $0x38;
	[tilespmem:$0x18300] =	vst v63  }
0x3a: {  	_ =	swait.ge [sflag:s4], $0x8000  }
0x3b: {  	s25 =	sadd.s32 $0xFFFFFFFF, s25;
	[sflag:s4] =	ssyncset.done $0x0  }
.LBB2_1:
0x3c: {  	p0 =	sne.s32 s25, $0x1;
	s25 =	sadd.s32 $0xFFFFFFFF, s25;
	[sflag:s4] =	ssyncadd.s32 $0xFFFF8000  }
0x3d: {  	[tilespmem:s3], [sflag:$0x2] =	stream.linear.gather [hbm4b:s5+s3], $0x100, $0x38;
	[tilespmem:$0x18300] =	vst v63  }
0x3e: {  	_ =	swait.ge [sflag:s4], $0x100  }
0x3f: {  	[sflag:s4] =	ssyncset.done $0x0  }
0x40: {  	[sflag:s4] =	ssyncadd.s32 $0xFFFFFF00  }
0x41: {  	[tilespmem:s7], [sflag:$0x2] =	stream.linear.gather [hbm4b:s6+s3], $0x100, $0x38;
	[tilespmem:$0x18300] =	vst v63  }
0x42: {  	_ =	swait.ge [sflag:s4], $0x100  }
0x43: {  	[sflag:s4] =	ssyncset.done $0x0  }
0x44: {  	[sflag:s4] =	ssyncadd.s32 $0xFFFFFF00  }
0x45: {  	[tilespmem:s9], [sflag:$0x2] =	stream.linear.gather [hbm4b:s8+s3], $0x100, $0x38;
	[tilespmem:$0x18300] =	vst v63  }
0x46: {  	_ =	swait.ge [sflag:s4], $0x100  }
0x47: {  	[sflag:s4] =	ssyncset.done $0x0  }
0x48: {  	[sflag:s4] =	ssyncadd.s32 $0xFFFFFF00  }
0x49: {  	[tilespmem:s12], [sflag:$0x1] =	stream.indirect.gather [hbm4b:s10+s11], $0x80, s3, s11, $0xb8;
	[tilespmem:$0x18300] =	vst v63  }
0x4a: {  	_ = 	snop  }
0x4b: {  	[tilespmem:s13], [sflag:$0x1] =	stream.indirect.gather [hbm4b:s2+s11], $0x80, s7, s11, $0xb8;
	[tilespmem:$0x18300] =	vst v63  }
0x4c: {  	_ = 	snop  }
0x4d: {  	[tilespmem:s15], [sflag:$0x1] =	stream.indirect.gather [hbm4b:s14+s11], $0x80, s9, s11, $0xb8;
	[tilespmem:$0x18300] =	vst v63  }
0x4e: {  	_ = 	snop  }
0x4f: {  	[tilespmem:s16], [sflag:$0x1] =	stream.indirect.gather [hbm4b:s10+s11], $0x80, s11, s11, $0xb8;
	[tilespmem:$0x18300] =	vst v63  }
0x50: {  	_ = 	snop  }
0x51: {  	[tilespmem:s18], [sflag:$0x1] =	stream.indirect.gather [hbm4b:s2+s11], $0x80, s17, s11, $0xb8;
	[tilespmem:$0x18300] =	vst v63  }
0x52: {  	_ = 	snop  }
0x53: {  	[tilespmem:s20], [sflag:$0x1] =	stream.indirect.gather [hbm4b:s14+s11], $0x80, s19, s11, $0xb8;
	[tilespmem:$0x18300] =	vst v63  }
0x54: {  	_ =	swait.ge [sflag:s21], $0x4000  }
0x55: {  	[sflag:s21] =	ssyncset.done $0x0  }
0x56: {  	[sflag:s21] =	ssyncadd.s32 $0xFFFFC000  }
0x57: {  	_ =	swait.ge [sflag:s21], $0x4000  }
0x58: {  	[sflag:s21] =	ssyncset.done $0x0  }
0x59: {  	[sflag:s21] =	ssyncadd.s32 $0xFFFFC000  }
0x5a: {  	_ =	swait.ge [sflag:s21], $0x4000  }
0x5b: {  	[sflag:s21] =	ssyncset.done $0x0  }
0x5c: {  	[sflag:s21] =	ssyncadd.s32 $0xFFFFC000  }
0x5d: {  	_ =	swait.ge [sflag:s21], $0x4000  }
0x5e: {  	[sflag:s21] =	ssyncset.done $0x0  }
0x5f: {  	[sflag:s21] =	ssyncadd.s32 $0xFFFFC000  }
0x60: {  	_ =	swait.ge [sflag:s21], $0x4000  }
0x61: {  	[sflag:s21] =	ssyncset.done $0x0  }
0x62: {  	[sflag:s21] =	ssyncadd.s32 $0xFFFFC000  }
0x63: {  	_ =	swait.ge [sflag:s21], $0x4000  }
0x64: {  	[sflag:s21] =	ssyncset.done $0x0  }
0x65: {  	[sflag:s21] =	ssyncadd.s32 $0xFFFFC000  }
0x66: {  	[hbm4b:s22+s3] =	stream.linear.scatter [tilespmem:s12], [sflag:$0x2], $0x8000, $0x38;
	[tilespmem:$0x18300] =	vst v63  }
0x67: {  	_ =	swait.ge [sflag:s4], $0x8000  }
0x68: {  	[sflag:s4] =	ssyncset.done $0x0  }
0x69: {  	[sflag:s4] =	ssyncadd.s32 $0xFFFF8000  }
0x6a: {  	[hbm4b:s23+s3] =	stream.linear.scatter [tilespmem:s13], [sflag:$0x2], $0x8000, $0x38;
	[tilespmem:$0x18300] =	vst v63  }
0x6b: {  	_ =	swait.ge [sflag:s4], $0x8000  }
.Ltmp1:
0x6c: {  	[sflag:s4] =	ssyncset.done $0x0;
	(pc) =	sbr.rel @p0 .LBB2_1-.Ltmp1, $4  }
0x6d: {  	[sflag:s4] =	ssyncadd.s32 $0xFFFF8000  }
0x6e: {  	[hbm4b:s24+s3] =	stream.linear.scatter [tilespmem:s15], [sflag:$0x2], $0x8000, $0x38;
	[tilespmem:$0x18300] =	vst v63  }
0x6f: {  	_ =	swait.ge [sflag:s4], $0x8000  }
0x70: {  	[sflag:s4] =	ssyncset.done $0x0  }
.LBB2_2:
0x71: {  	[sflag:s4] =	ssyncadd.s32 $0xFFFF8000  }
0x72: {  	_ =	sfence.sel $0x180000  }
0x73: {  	[bflag:$0x0] =	sbarrier.arrive $0xFFFF  }
0x74: {  	p0 =	sne.s32 s0, $0x0;
	_ =	strace $0x90000047  }
0x75: {  	s0 =	sadd.s32 @!p0 $0x100000, s1;
	[bflag:$0x2] =	sbarrier.arrive $0xFFFF  }
0x76: {  	[sflag:s0] =	ssyncadd.tile.s32 @!p0 $0x1;
	_ =	shalt  }
.Lfunc_end2:
_tile_overlayer_lowered:
.L_overlay_start_2:
0x77: {  	(tag) =	ssettag $0x2  }
0x78: {  	s0 =	rddreg [dreg:$0x0];
	s2 =	stileid.u32  }
0x79: {  	s1 =	rddreg [dreg:$0x1];
	p0 =	sne.s32 s2, $0x0  }
0x7a: {  	s3 =	rddreg [dreg:$0x2];
	[bflag:$0x3] =	sbarrier.arrive $0xFFFF;
	s2 =	simm.s32 @!p0 $0x1C02  }
0x7b: {  	[timem:s3], [sflag:s2] =	dma.local @!p0 [hbm:s0], s1  }
0x7c: {  	s0 =	simm.s32 @!p0 $0x2  }
0x7d: {  	_ =	swait.ge @!p0 [sflag:s0], s1  }
0x7e: {  	s1 =	ssub.s32 @!p0 $0x0, s1;
	[sflag:s0] =	ssyncset.done @!p0 $0x0  }
0x7f: {  	[sflag:s0] =	ssyncadd.s32 @!p0 s1  }
0x80: {  	[bflag:$0x3] =	sbarrier.arrive $0xFFFF  }
0x81: {  	_ =	shalt  }

</sc_bundles>
